<compile_context>
chip_gen: v7x
topology: tpu7x:2x2x1
jax: 0.10.2.dev20260603
libtpu: 0.0.44.dev20260713+nightly
codegen_flags: <defaults>
</compile_context>

<pallas_src>
import functools

import jax
import jax.numpy as jnp
from jax import lax
from jax.experimental import pallas as pl
from jax.experimental.pallas import tpu as pltpu
from jax.experimental.pallas import tpu_sc as plsc

NC = 2
NS = 16
NW = NC * NS
C = 128


def _make_degree_kernel(KD, NA):
    mesh = plsc.VectorSubcoreMesh(core_axis_name="c", subcore_axis_name="s")
    rows = NA // NS

    @functools.partial(
        pl.kernel,
        out_type=jax.ShapeDtypeStruct((2 * NA,), jnp.float32),
        mesh=mesh,
        scratch_types=[
            pltpu.VMEM((KD, C), jnp.int32),
            pltpu.VMEM((C,), jnp.float32),
            pltpu.VMEM_SHARED((NA,), jnp.float32),
        ],
    )
    def deg_kernel(idx_hbm, zeros_hbm, out_hbm, idx_v, ones_v, acc):
        cid = lax.axis_index("c")
        sid = lax.axis_index("s")
        r0 = sid * rows
        for i in range(C // 16):
            ones_v[pl.ds(i * 16, 16)] = jnp.ones((16,), jnp.float32)
        pltpu.sync_copy(zeros_hbm.at[pl.ds(r0, rows)], acc.at[pl.ds(r0, rows)])
        pltpu.sync_copy(idx_hbm.at[cid, sid], idx_v)
        plsc.subcore_barrier()

        def body(k, carry):
            pltpu.sync_copy(ones_v, acc.at[idx_v.at[k]], add=True)
            return carry

        lax.fori_loop(0, KD, body, 0)
        plsc.subcore_barrier()
        pltpu.sync_copy(acc.at[pl.ds(r0, rows)],
                        out_hbm.at[pl.ds(cid * NA + r0, rows)])

    return deg_kernel


def _make_edge_kernel(KM, NA, D):
    mesh = plsc.VectorSubcoreMesh(core_axis_name="c", subcore_axis_name="s")
    rows = NA // NS

    @functools.partial(
        pl.kernel,
        out_type=jax.ShapeDtypeStruct((2, NA, D), jnp.float32),
        mesh=mesh,
        scratch_types=[
            pltpu.VMEM((KM, C), jnp.int32),
            pltpu.VMEM((KM, C), jnp.int32),
            pltpu.VMEM((C, D), jnp.float32),
            pltpu.VMEM_SHARED((NA, D), jnp.float32),
            pltpu.SemaphoreType.DMA,
        ],
    )
    def edge_kernel(src_hbm, dst_hbm, zs_hbm, zeros_hbm, out_hbm,
                    src_v, dst_v, rows_v, acc, gsem):
        cid = lax.axis_index("c")
        sid = lax.axis_index("s")
        wid = cid * NS + sid
        r0 = sid * rows
        @pl.when(cid == 0)
        def _():
            pltpu.sync_copy(zs_hbm.at[pl.ds(r0, rows)], acc.at[pl.ds(r0, rows)])

        @pl.when(cid == 1)
        def _():
            pltpu.sync_copy(zeros_hbm.at[pl.ds(r0, rows)], acc.at[pl.ds(r0, rows)])

        pltpu.sync_copy(src_hbm.at[wid], src_v)
        pltpu.sync_copy(dst_hbm.at[wid], dst_v)
        plsc.subcore_barrier()

        def body(k, carry):
            pltpu.async_copy(zs_hbm.at[src_v.at[k]], rows_v, gsem).wait()
            pltpu.sync_copy(rows_v, acc.at[dst_v.at[k]], add=True)
            return carry

        lax.fori_loop(0, KM, body, 0)
        plsc.subcore_barrier()
        pltpu.sync_copy(acc.at[pl.ds(r0, rows)], out_hbm.at[cid, pl.ds(r0, rows)])

    return edge_kernel


def _proj_body(next_h_ref, w_ref, tw_ref, out_ref):
    w2 = w_ref[...] * tw_ref[...]
    out_ref[...] = jnp.dot(next_h_ref[...], w2,
                           preferred_element_type=jnp.float32,
                           precision=lax.Precision.HIGHEST)


def _zs_body(inc_ref, p_ref, h_ref, wc_ref, cw_ref, deg_ref, out_ref):
    w1 = wc_ref[...] * cw_ref[...]
    z = (jnp.dot(inc_ref[...], p_ref[...],
                 preferred_element_type=jnp.float32,
                 precision=lax.Precision.HIGHEST)
         + jnp.dot(h_ref[...], w1,
                   preferred_element_type=jnp.float32,
                   precision=lax.Precision.HIGHEST))
    out_ref[...] = z * lax.rsqrt(deg_ref[...] + 1.0)


def _final_body(p0_ref, p1_ref, deg_ref, bc_ref, cw_ref, bf_ref, tw_ref,
                g_ref, b_ref, out_ref):
    bias = bc_ref[...] * cw_ref[...] + bf_ref[...] * tw_ref[...]
    x = (p0_ref[0] + p1_ref[0]) * lax.rsqrt(deg_ref[...] + 1.0) + bias
    mu = jnp.mean(x, axis=-1, keepdims=True)
    xc = x - mu
    var = jnp.mean(xc * xc, axis=-1, keepdims=True)
    y = xc * lax.rsqrt(var + 1e-5) * g_ref[...] + b_ref[...]
    out_ref[...] = jnp.maximum(y, 0.0)


def kernel(curr_h, next_h, curr_inc, edge_index, W_conv, b_conv,
           W_fusion, b_fusion, conv_w, topDown_w, ln_gamma, ln_beta):
    N, D = curr_h.shape
    M = next_h.shape[0]
    E = edge_index.shape[1]
    NA = -(-(N + 1) // (NS * 128)) * (NS * 128)
    f32 = jnp.float32

    src = edge_index[0].astype(jnp.int32)
    dst = edge_index[1].astype(jnp.int32)

    KD = -(-E // (NS * C))
    pad_d = NS * C * KD - E
    idx_d = jnp.stack([
        jnp.concatenate([src, jnp.full((pad_d,), N, jnp.int32)]),
        jnp.concatenate([dst, jnp.full((pad_d,), N, jnp.int32)]),
    ]).reshape(2, NS, KD, C)
    zeros_row = jnp.zeros((NA,), f32)
    deg = _make_degree_kernel(KD, NA)(idx_d, zeros_row)
    deg_out_col = deg[:NA].reshape(NA, 1)
    deg_in_col = deg[NA:].reshape(NA, 1)

    P = pl.pallas_call(
        _proj_body,
        out_shape=jax.ShapeDtypeStruct((M, D), f32),
    )(next_h, W_fusion, topDown_w.reshape(1, D))

    BN = 512
    zs_pad = pl.pallas_call(
        _zs_body,
        grid=(NA // BN,),
        in_specs=[
            pl.BlockSpec((BN, M), lambda i: (i, 0)),
            pl.BlockSpec((M, D), lambda i: (0, 0)),
            pl.BlockSpec((BN, D), lambda i: (i, 0)),
            pl.BlockSpec((D, D), lambda i: (0, 0)),
            pl.BlockSpec((1, D), lambda i: (0, 0)),
            pl.BlockSpec((BN, 1), lambda i: (i, 0)),
        ],
        out_specs=pl.BlockSpec((BN, D), lambda i: (i, 0)),
        out_shape=jax.ShapeDtypeStruct((NA, D), f32),
        compiler_params=pltpu.CompilerParams(
            dimension_semantics=("parallel",)),
    )(curr_inc, P, curr_h, W_conv, conv_w.reshape(1, D), deg_out_col)

    KM = -(-E // (NW * C))
    pad_m = NW * C * KM - E
    src_m = jnp.concatenate([src, jnp.zeros((pad_m,), jnp.int32)])
    dst_m = jnp.concatenate([dst, jnp.full((pad_m,), N, jnp.int32)])
    src_m = src_m.reshape(NW, KM, C)
    dst_m = dst_m.reshape(NW, KM, C)
    zeros_big = jnp.zeros((NA, D), f32)
    partials = _make_edge_kernel(KM, NA, D)(src_m, dst_m, zs_pad, zeros_big)

    BF = 400
    out = pl.pallas_call(
        _final_body,
        grid=(N // BF,),
        in_specs=[
            pl.BlockSpec((1, BF, D), lambda i: (0, i, 0)),
            pl.BlockSpec((1, BF, D), lambda i: (1, i, 0)),
            pl.BlockSpec((BF, 1), lambda i: (i, 0)),
        ] + [pl.BlockSpec((1, D), lambda i: (0, 0))] * 6,
        out_specs=pl.BlockSpec((BF, D), lambda i: (i, 0)),
        out_shape=jax.ShapeDtypeStruct((N, D), f32),
    )(partials, partials, deg_in_col,
      b_conv.reshape(1, D), conv_w.reshape(1, D),
      b_fusion.reshape(1, D), topDown_w.reshape(1, D),
      ln_gamma.reshape(1, D), ln_beta.reshape(1, D))
    return out

# --- scband reference (transcript-rebuilt; emitter-appended) ---
"""Pipeline reference for scband-lgcore-23613730193937 (READ-ONLY COPY).

The authoritative reference and input builder live on the scoring server;
editing this copy changes nothing except your own understanding.
"""

import jax, jax.numpy as jnp
import numpy as np

N = 10000
M = 5000
E = 320000
D = 128


def setup_inputs(seed: int = 0) -> dict:
    key = jax.random.key(seed)
    ks = jax.random.split(key, 12)
    curr_h = jax.random.normal(ks[0], (N, D), dtype=jnp.float32)
    next_h = jax.random.normal(ks[1], (M, D), dtype=jnp.float32)
    curr_inc = jax.random.normal(ks[2], (N, M), dtype=jnp.float32) * 0.01
    edge_index = jax.random.randint(ks[3], (2, E), 0, N, dtype=jnp.int64)
    W_conv = jax.random.normal(ks[4], (D, D), dtype=jnp.float32) * (1.0 / np.sqrt(D))
    b_conv = jnp.zeros((D,), dtype=jnp.float32)
    W_fusion = jax.random.normal(ks[5], (D, D), dtype=jnp.float32) * (1.0 / np.sqrt(D))
    b_fusion = jnp.zeros((D,), dtype=jnp.float32)
    conv_w = jax.random.uniform(ks[6], (D,), dtype=jnp.float32)
    topDown_w = jax.random.uniform(ks[7], (D,), dtype=jnp.float32)
    ln_gamma = jnp.ones((D,), dtype=jnp.float32)
    ln_beta = jnp.zeros((D,), dtype=jnp.float32)
    return {
        'curr_h': curr_h, 'next_h': next_h, 'curr_inc': curr_inc,
        'edge_index': edge_index,
        'W_conv': W_conv, 'b_conv': b_conv,
        'W_fusion': W_fusion, 'b_fusion': b_fusion,
        'conv_w': conv_w, 'topDown_w': topDown_w,
        'ln_gamma': ln_gamma, 'ln_beta': ln_beta,
    }


def _graph_conv(src, dst, n_nodes, x, W, b):
    # DGL GraphConv with norm='both': D_out^{-1/2} A D_in^{-1/2} X W + b
    deg_out = jnp.bincount(src, length=n_nodes).astype(jnp.float32)
    deg_in = jnp.bincount(dst, length=n_nodes).astype(jnp.float32)
    norm_src = jnp.where(deg_out > 0, deg_out ** -0.5, 0.0)
    norm_dst = jnp.where(deg_in > 0, deg_in ** -0.5, 0.0)
    h = x * norm_src[:, None]
    agg = jnp.zeros((n_nodes, x.shape[1]), dtype=x.dtype).at[dst].add(h[src])
    agg = agg * norm_dst[:, None]
    return agg @ W + b


def _layer_norm(x, gamma, beta, eps=1e-5):
    mu = jnp.mean(x, axis=-1, keepdims=True)
    var = jnp.var(x, axis=-1, keepdims=True)
    return (x - mu) / jnp.sqrt(var + eps) * gamma + beta


def reference(curr_h, next_h, curr_inc, edge_index,
              W_conv, b_conv, W_fusion, b_fusion,
              conv_w, topDown_w, ln_gamma, ln_beta):
    # dgl.add_self_loop(g)
    loops = jnp.arange(N, dtype=edge_index.dtype)
    src = jnp.concatenate([edge_index[0], loops])
    dst = jnp.concatenate([edge_index[1], loops])
    # agg_type == 'top_down'
    conv_layer = _graph_conv(src, dst, N, curr_h, W_conv, b_conv) * conv_w[None, :]
    fused_in = curr_inc @ next_h  # torch.mm(curr_inc, next_h)
    top_down_layer = _graph_conv(src, dst, N, fused_in, W_fusion, b_fusion) * topDown_w[None, :]
    # update == 'SUM'
    result = conv_layer + top_down_layer
    result = _layer_norm(result, ln_gamma, ln_beta)
    # activation == 'RELU'
    result = jax.nn.relu(result)
    # dropout p=0.0 -> identity
    return result

if __name__ == "__main__":
    import jax
    _d = setup_inputs()
    print(jax.jit(kernel)(*tuple(_d.values())))

</pallas_src>

<mosaic_0001>
#map = affine_map<(d0, d1) -> (0, 0, 0, 0)>
#map1 = affine_map<(d0, d1) -> (0)>
module attributes {stable_mosaic.version = 14 : i64} {
  func.func @deg_kernel(%arg0: i32, %arg1: i32, %arg2: memref<2x16x157x128xi32, #tpu.memory_space<hbm>>, %arg3: memref<10240xf32, #tpu.memory_space<hbm>>, %arg4: memref<20480xf32, #tpu.memory_space<hbm>>, %arg5: memref<157x128xi32, #tpu.memory_space<vmem>>, %arg6: memref<128xf32, #tpu.memory_space<vmem>>, %arg7: memref<10240xf32, #tpu.memory_space<vmem_shared>>) attributes {dimension_semantics = [#tpu.dimension_semantics<core_parallel>, #tpu.dimension_semantics<subcore_parallel>], iteration_bounds = array<i64: 2, 16>, scalar_prefetch = 0 : i64, scratch_operands = 3 : i64, tpu.core_type = #tpu.core_type<sc_vector_subcore>, window_params = [{transform_indices = #map}, {transform_indices = #map1}, {transform_indices = #map1}]} {
    %mul3A = arith.constant 640 : i32
    %mul3A_0 = arith.muli %arg1, %mul3A : i32
    %broadcast_in_dim3A = arith.constant 1.000000e+00 : f32
    %broadcast_in_dim3A_1 = vector.broadcast %broadcast_in_dim3A : f32 to vector<16xf32>
    %swap3A = arith.constant 0 : index
    %swap3A_2 = tpu.vector_load %arg6[%swap3A] {strides = array<i32>} : memref<128xf32, #tpu.memory_space<vmem>>, vector<16xf32>,
    %swap3A_3 = vector.shape_cast %swap3A_2 : vector<16xf32> to vector<16xf32>
    %swap3A_4 = vector.shape_cast %broadcast_in_dim3A_1 : vector<16xf32> to vector<16xf32>
    tpu.vector_store %arg6[%swap3A], %swap3A_4 {strides = array<i32>} : memref<128xf32, #tpu.memory_space<vmem>>, vector<16xf32>,
    %broadcast_in_dim3A_5 = arith.constant 1.000000e+00 : f32
    %broadcast_in_dim3A_6 = vector.broadcast %broadcast_in_dim3A_5 : f32 to vector<16xf32>
    %swap3A_7 = arith.constant 16 : index
    %swap3A_8 = tpu.vector_load %arg6[%swap3A_7] {strides = array<i32>} : memref<128xf32, #tpu.memory_space<vmem>>, vector<16xf32>,
    %swap3A_9 = vector.shape_cast %swap3A_8 : vector<16xf32> to vector<16xf32>
    %swap3A_10 = vector.shape_cast %broadcast_in_dim3A_6 : vector<16xf32> to vector<16xf32>
    tpu.vector_store %arg6[%swap3A_7], %swap3A_10 {strides = array<i32>} : memref<128xf32, #tpu.memory_space<vmem>>, vector<16xf32>,
    %broadcast_in_dim3A_11 = arith.constant 1.000000e+00 : f32
    %broadcast_in_dim3A_12 = vector.broadcast %broadcast_in_dim3A_11 : f32 to vector<16xf32>
    %swap3A_13 = arith.constant 32 : index
    %swap3A_14 = tpu.vector_load %arg6[%swap3A_13] {strides = array<i32>} : memref<128xf32, #tpu.memory_space<vmem>>, vector<16xf32>,
    %swap3A_15 = vector.shape_cast %swap3A_14 : vector<16xf32> to vector<16xf32>
    %swap3A_16 = vector.shape_cast %broadcast_in_dim3A_12 : vector<16xf32> to vector<16xf32>
    tpu.vector_store %arg6[%swap3A_13], %swap3A_16 {strides = array<i32>} : memref<128xf32, #tpu.memory_space<vmem>>, vector<16xf32>,
    %broadcast_in_dim3A_17 = arith.constant 1.000000e+00 : f32
    %broadcast_in_dim3A_18 = vector.broadcast %broadcast_in_dim3A_17 : f32 to vector<16xf32>
    %swap3A_19 = arith.constant 48 : index
    %swap3A_20 = tpu.vector_load %arg6[%swap3A_19] {strides = array<i32>} : memref<128xf32, #tpu.memory_space<vmem>>, vector<16xf32>,
    %swap3A_21 = vector.shape_cast %swap3A_20 : vector<16xf32> to vector<16xf32>
    %swap3A_22 = vector.shape_cast %broadcast_in_dim3A_18 : vector<16xf32> to vector<16xf32>
    tpu.vector_store %arg6[%swap3A_19], %swap3A_22 {strides = array<i32>} : memref<128xf32, #tpu.memory_space<vmem>>, vector<16xf32>,
    %broadcast_in_dim3A_23 = arith.constant 1.000000e+00 : f32
    %broadcast_in_dim3A_24 = vector.broadcast %broadcast_in_dim3A_23 : f32 to vector<16xf32>
    %swap3A_25 = arith.constant 64 : index
    %swap3A_26 = tpu.vector_load %arg6[%swap3A_25] {strides = array<i32>} : memref<128xf32, #tpu.memory_space<vmem>>, vector<16xf32>,
    %swap3A_27 = vector.shape_cast %swap3A_26 : vector<16xf32> to vector<16xf32>
    %swap3A_28 = vector.shape_cast %broadcast_in_dim3A_24 : vector<16xf32> to vector<16xf32>
    tpu.vector_store %arg6[%swap3A_25], %swap3A_28 {strides = array<i32>} : memref<128xf32, #tpu.memory_space<vmem>>, vector<16xf32>,
    %broadcast_in_dim3A_29 = arith.constant 1.000000e+00 : f32
    %broadcast_in_dim3A_30 = vector.broadcast %broadcast_in_dim3A_29 : f32 to vector<16xf32>
    %swap3A_31 = arith.constant 80 : index
    %swap3A_32 = tpu.vector_load %arg6[%swap3A_31] {strides = array<i32>} : memref<128xf32, #tpu.memory_space<vmem>>, vector<16xf32>,
    %swap3A_33 = vector.shape_cast %swap3A_32 : vector<16xf32> to vector<16xf32>
    %swap3A_34 = vector.shape_cast %broadcast_in_dim3A_30 : vector<16xf32> to vector<16xf32>
    tpu.vector_store %arg6[%swap3A_31], %swap3A_34 {strides = array<i32>} : memref<128xf32, #tpu.memory_space<vmem>>, vector<16xf32>,
    %broadcast_in_dim3A_35 = arith.constant 1.000000e+00 : f32
    %broadcast_in_dim3A_36 = vector.broadcast %broadcast_in_dim3A_35 : f32 to vector<16xf32>
    %swap3A_37 = arith.constant 96 : index
    %swap3A_38 = tpu.vector_load %arg6[%swap3A_37] {strides = array<i32>} : memref<128xf32, #tpu.memory_space<vmem>>, vector<16xf32>,
    %swap3A_39 = vector.shape_cast %swap3A_38 : vector<16xf32> to vector<16xf32>
    %swap3A_40 = vector.shape_cast %broadcast_in_dim3A_36 : vector<16xf32> to vector<16xf32>
    tpu.vector_store %arg6[%swap3A_37], %swap3A_40 {strides = array<i32>} : memref<128xf32, #tpu.memory_space<vmem>>, vector<16xf32>,
    %broadcast_in_dim3A_41 = arith.constant 1.000000e+00 : f32
    %broadcast_in_dim3A_42 = vector.broadcast %broadcast_in_dim3A_41 : f32 to vector<16xf32>
    %swap3A_43 = arith.constant 112 : index
    %swap3A_44 = tpu.vector_load %arg6[%swap3A_43] {strides = array<i32>} : memref<128xf32, #tpu.memory_space<vmem>>, vector<16xf32>,
    %swap3A_45 = vector.shape_cast %swap3A_44 : vector<16xf32> to vector<16xf32>
    %swap3A_46 = vector.shape_cast %broadcast_in_dim3A_42 : vector<16xf32> to vector<16xf32>
    tpu.vector_store %arg6[%swap3A_43], %swap3A_46 {strides = array<i32>} : memref<128xf32, #tpu.memory_space<vmem>>, vector<16xf32>,
    "tpu.region"() ({
      %run_scoped3A = tpu.sem_alloc : memref<!tpu.dma_semaphore, #tpu.memory_space<semaphore_mem>>
      %dma_start3A = tpu.memref_slice %arg7[%mul3A_0] : memref<10240xf32, #tpu.memory_space<vmem_shared>> -> memref<640xf32, #tpu.memory_space<vmem_shared>>
      %dma_start3A_55 = tpu.memref_slice %arg3[%mul3A_0] : memref<10240xf32, #tpu.memory_space<hbm>> -> memref<640xf32, #tpu.memory_space<hbm>>
      tpu.enqueue_dma source(%dma_start3A_55 : memref<640xf32, #tpu.memory_space<hbm>>) target(%dma_start3A : memref<640xf32, #tpu.memory_space<vmem_shared>>) target_semaphore(%run_scoped3A : memref<!tpu.dma_semaphore, #tpu.memory_space<semaphore_mem>>)
      %dma_wait3A = tpu.memref_slice %arg7[%mul3A_0] : memref<10240xf32, #tpu.memory_space<vmem_shared>> -> memref<640xf32, #tpu.memory_space<vmem_shared>>
      %dma_wait3A_56 = tpu.memref_slice %arg3[%mul3A_0] : memref<10240xf32, #tpu.memory_space<hbm>> -> memref<640xf32, #tpu.memory_space<hbm>>
      tpu.wait_dma2 semaphore(%run_scoped3A : memref<!tpu.dma_semaphore, #tpu.memory_space<semaphore_mem>>) src(%dma_wait3A_56 : memref<640xf32, #tpu.memory_space<hbm>>) dst(%dma_wait3A : memref<640xf32, #tpu.memory_space<vmem_shared>>)
      tpu.yield
    }) : () -> ()
    "tpu.region"() ({
      %run_scoped3A = tpu.sem_alloc : memref<!tpu.dma_semaphore, #tpu.memory_space<semaphore_mem>>
      %dma_start3A = arith.constant 0 : i32
      %dma_start3A_55 = arith.constant 0 : i32
      %dma_start3A_56 = tpu.memref_slice %arg2[%arg0, %arg1, %dma_start3A, %dma_start3A_55] : memref<2x16x157x128xi32, #tpu.memory_space<hbm>> -> memref<1x1x157x128xi32, #tpu.memory_space<hbm>>
      %dma_start3A_57 = tpu.memref_squeeze %dma_start3A_56 : memref<1x1x157x128xi32, #tpu.memory_space<hbm>> -> memref<157x128xi32, #tpu.memory_space<hbm>>
      %dma_start3A_58 = arith.constant 0 : i32
      %dma_start3A_59 = arith.constant 0 : i32
      %dma_start3A_60 = tpu.memref_slice %arg2[%arg0, %arg1, %dma_start3A_58, %dma_start3A_59] : memref<2x16x157x128xi32, #tpu.memory_space<hbm>> -> memref<1x1x157x128xi32, #tpu.memory_space<hbm>>
      %dma_start3A_61 = tpu.memref_squeeze %dma_start3A_60 : memref<1x1x157x128xi32, #tpu.memory_space<hbm>> -> memref<157x128xi32, #tpu.memory_space<hbm>>
      tpu.enqueue_dma source(%dma_start3A_61 : memref<157x128xi32, #tpu.memory_space<hbm>>) target(%arg5 : memref<157x128xi32, #tpu.memory_space<vmem>>) target_semaphore(%run_scoped3A : memref<!tpu.dma_semaphore, #tpu.memory_space<semaphore_mem>>)
      %dma_wait3A = arith.constant 0 : i32
      %dma_wait3A_62 = arith.constant 0 : i32
      %dma_wait3A_63 = tpu.memref_slice %arg2[%arg0, %arg1, %dma_wait3A, %dma_wait3A_62] : memref<2x16x157x128xi32, #tpu.memory_space<hbm>> -> memref<1x1x157x128xi32, #tpu.memory_space<hbm>>
      %dma_wait3A_64 = tpu.memref_squeeze %dma_wait3A_63 : memref<1x1x157x128xi32, #tpu.memory_space<hbm>> -> memref<157x128xi32, #tpu.memory_space<hbm>>
      %dma_wait3A_65 = arith.constant 0 : i32
      %dma_wait3A_66 = arith.constant 0 : i32
      %dma_wait3A_67 = tpu.memref_slice %arg2[%arg0, %arg1, %dma_wait3A_65, %dma_wait3A_66] : memref<2x16x157x128xi32, #tpu.memory_space<hbm>> -> memref<1x1x157x128xi32, #tpu.memory_space<hbm>>
      %dma_wait3A_68 = tpu.memref_squeeze %dma_wait3A_67 : memref<1x1x157x128xi32, #tpu.memory_space<hbm>> -> memref<157x128xi32, #tpu.memory_space<hbm>>
      tpu.wait_dma2 semaphore(%run_scoped3A : memref<!tpu.dma_semaphore, #tpu.memory_space<semaphore_mem>>) src(%dma_wait3A_68 : memref<157x128xi32, #tpu.memory_space<hbm>>) dst(%arg5 : memref<157x128xi32, #tpu.memory_space<vmem>>)
      tpu.yield
    }) : () -> ()
    %barrier3A = arith.constant 0 : index
    tpu.barrier barrier_id(%barrier3A)
    %scan3A = arith.constant 0 : i32
    %scan3A_47 = arith.constant 0 : i32
    %scan3A_48 = arith.constant 157 : i32
    %scan3A_49 = arith.addi %scan3A_47, %scan3A_48 : i32
    %scan3A_50 = arith.constant 1 : i32
    scf.for %scan3A_55 = %scan3A_47 to %scan3A_49 step %scan3A_50  : i32 {
      "tpu.region"() ({
        %run_scoped3A = tpu.sem_alloc : memref<!tpu.dma_semaphore, #tpu.memory_space<semaphore_mem>>
        %dma_start3A = arith.constant 0 : i32
        %dma_start3A_56 = tpu.memref_slice %arg5[%scan3A_55, %dma_start3A] : memref<157x128xi32, #tpu.memory_space<vmem>> -> memref<1x128xi32, #tpu.memory_space<vmem>>
        %dma_start3A_57 = tpu.memref_squeeze %dma_start3A_56 : memref<1x128xi32, #tpu.memory_space<vmem>> -> memref<128xi32, #tpu.memory_space<vmem>>
        %dma_start3A_58 = arith.constant 0 : i32
        %dma_start3A_59 = tpu.memref_slice %arg7[%dma_start3A_58] : memref<10240xf32, #tpu.memory_space<vmem_shared>> -> memref<10240xf32, #tpu.memory_space<vmem_shared>>
        tpu.enqueue_indirect_dma source(%arg6 : memref<128xf32, #tpu.memory_space<vmem>>) target(%dma_start3A_59 : memref<10240xf32, #tpu.memory_space<vmem_shared>>) offsets(%dma_start3A_57 : memref<128xi32, #tpu.memory_space<vmem>>) semaphore(%run_scoped3A : memref<!tpu.dma_semaphore, #tpu.memory_space<semaphore_mem>>) {add = true}
        %dma_wait3A = arith.constant 0 : i32
        %dma_wait3A_60 = tpu.memref_slice %arg5[%scan3A_55, %dma_wait3A] : memref<157x128xi32, #tpu.memory_space<vmem>> -> memref<1x128xi32, #tpu.memory_space<vmem>>
        %dma_wait3A_61 = tpu.memref_squeeze %dma_wait3A_60 : memref<1x128xi32, #tpu.memory_space<vmem>> -> memref<128xi32, #tpu.memory_space<vmem>>
        %dma_wait3A_62 = arith.constant 0 : i32
        %dma_wait3A_63 = tpu.memref_slice %arg7[%dma_wait3A_62] : memref<10240xf32, #tpu.memory_space<vmem_shared>> -> memref<10240xf32, #tpu.memory_space<vmem_shared>>
        tpu.wait_indirect_dma semaphore(%run_scoped3A : memref<!tpu.dma_semaphore, #tpu.memory_space<semaphore_mem>>) src(%arg6 : memref<128xf32, #tpu.memory_space<vmem>>) dst(%dma_wait3A_63 : memref<10240xf32, #tpu.memory_space<vmem_shared>>)
        tpu.yield
      }) : () -> ()
    }
    %scan3A_51 = arith.constant 157 : i32
    %barrier3A_52 = arith.constant 0 : index
    tpu.barrier barrier_id(%barrier3A_52)
    %mul3A_53 = arith.constant 10240 : i32
    %mul3A_54 = arith.muli %arg0, %mul3A_53 : i32
    %add3A = arith.addi %mul3A_54, %mul3A_0 : i32
    "tpu.region"() ({
      %run_scoped3A = tpu.sem_alloc : memref<!tpu.dma_semaphore, #tpu.memory_space<semaphore_mem>>
      %dma_start3A = tpu.memref_slice %arg4[%add3A] : memref<20480xf32, #tpu.memory_space<hbm>> -> memref<640xf32, #tpu.memory_space<hbm>>
      %dma_start3A_55 = tpu.memref_slice %arg7[%mul3A_0] : memref<10240xf32, #tpu.memory_space<vmem_shared>> -> memref<640xf32, #tpu.memory_space<vmem_shared>>
      tpu.enqueue_dma source(%dma_start3A_55 : memref<640xf32, #tpu.memory_space<vmem_shared>>) target(%dma_start3A : memref<640xf32, #tpu.memory_space<hbm>>) target_semaphore(%run_scoped3A : memref<!tpu.dma_semaphore, #tpu.memory_space<semaphore_mem>>)
      %dma_wait3A = tpu.memref_slice %arg4[%add3A] : memref<20480xf32, #tpu.memory_space<hbm>> -> memref<640xf32, #tpu.memory_space<hbm>>
      %dma_wait3A_56 = tpu.memref_slice %arg7[%mul3A_0] : memref<10240xf32, #tpu.memory_space<vmem_shared>> -> memref<640xf32, #tpu.memory_space<vmem_shared>>
      tpu.wait_dma2 semaphore(%run_scoped3A : memref<!tpu.dma_semaphore, #tpu.memory_space<semaphore_mem>>) src(%dma_wait3A_56 : memref<640xf32, #tpu.memory_space<vmem_shared>>) dst(%dma_wait3A : memref<640xf32, #tpu.memory_space<hbm>>)
      tpu.yield
    }) : () -> ()
    return
  }
}

#map = affine_map<(d0, d1) -> (0, 0, 0)>
#map1 = affine_map<(d0, d1) -> (0, 0)>
module attributes {stable_mosaic.version = 14 : i64} {
  func.func @edge_kernel(%arg0: i32, %arg1: i32, %arg2: memref<32x79x128xi32, #tpu.memory_space<hbm>>, %arg3: memref<32x79x128xi32, #tpu.memory_space<hbm>>, %arg4: memref<10240x128xf32, #tpu.memory_space<hbm>>, %arg5: memref<10240x128xf32, #tpu.memory_space<hbm>>, %arg6: memref<2x10240x128xf32, #tpu.memory_space<hbm>>, %arg7: memref<79x128xi32, #tpu.memory_space<vmem>>, %arg8: memref<79x128xi32, #tpu.memory_space<vmem>>, %arg9: memref<128x128xf32, #tpu.memory_space<vmem>>, %arg10: memref<10240x128xf32, #tpu.memory_space<vmem_shared>>, %arg11: memref<!tpu.dma_semaphore, #tpu.memory_space<semaphore_mem>>) attributes {dimension_semantics = [#tpu.dimension_semantics<core_parallel>, #tpu.dimension_semantics<subcore_parallel>], iteration_bounds = array<i64: 2, 16>, scalar_prefetch = 0 : i64, scratch_operands = 5 : i64, tpu.core_type = #tpu.core_type<sc_vector_subcore>, window_params = [{transform_indices = #map}, {transform_indices = #map}, {transform_indices = #map1}, {transform_indices = #map1}, {transform_indices = #map}]} {
    %mul3A = arith.constant 16 : i32
    %mul3A_0 = arith.muli %arg0, %mul3A : i32
    %add3A = arith.addi %mul3A_0, %arg1 : i32
    %mul3A_1 = arith.constant 640 : i32
    %mul3A_2 = arith.muli %arg1, %mul3A_1 : i32
    %eq3A = arith.constant 0 : i32
    %eq3A_3 = arith.cmpi eq, %arg0, %eq3A : i32
    %convert_element_type3A = arith.extui %eq3A_3 : i1 to i32
    %cond3A = arith.constant 0 : i32
    %cond3A_4 = arith.cmpi ne, %convert_element_type3A, %cond3A : i32
    scf.if %cond3A_4 {
      "tpu.region"() ({
        %run_scoped3A = tpu.sem_alloc : memref<!tpu.dma_semaphore, #tpu.memory_space<semaphore_mem>>
        %dma_start3A = arith.constant 0 : i32
        %dma_start3A_16 = tpu.memref_slice %arg10[%mul3A_2, %dma_start3A] : memref<10240x128xf32, #tpu.memory_space<vmem_shared>> -> memref<640x128xf32, #tpu.memory_space<vmem_shared>>
        %dma_start3A_17 = arith.constant 0 : i32
        %dma_start3A_18 = tpu.memref_slice %arg4[%mul3A_2, %dma_start3A_17] : memref<10240x128xf32, #tpu.memory_space<hbm>> -> memref<640x128xf32, #tpu.memory_space<hbm>>
        tpu.enqueue_dma source(%dma_start3A_18 : memref<640x128xf32, #tpu.memory_space<hbm>>) target(%dma_start3A_16 : memref<640x128xf32, #tpu.memory_space<vmem_shared>>) target_semaphore(%run_scoped3A : memref<!tpu.dma_semaphore, #tpu.memory_space<semaphore_mem>>)
        %dma_wait3A = arith.constant 0 : i32
        %dma_wait3A_19 = tpu.memref_slice %arg10[%mul3A_2, %dma_wait3A] : memref<10240x128xf32, #tpu.memory_space<vmem_shared>> -> memref<640x128xf32, #tpu.memory_space<vmem_shared>>
        %dma_wait3A_20 = arith.constant 0 : i32
        %dma_wait3A_21 = tpu.memref_slice %arg4[%mul3A_2, %dma_wait3A_20] : memref<10240x128xf32, #tpu.memory_space<hbm>> -> memref<640x128xf32, #tpu.memory_space<hbm>>
        tpu.wait_dma2 semaphore(%run_scoped3A : memref<!tpu.dma_semaphore, #tpu.memory_space<semaphore_mem>>) src(%dma_wait3A_21 : memref<640x128xf32, #tpu.memory_space<hbm>>) dst(%dma_wait3A_19 : memref<640x128xf32, #tpu.memory_space<vmem_shared>>)
        tpu.yield
      }) : () -> ()
    } else {
    }
    %eq3A_5 = arith.constant 1 : i32
    %eq3A_6 = arith.cmpi eq, %arg0, %eq3A_5 : i32
    %convert_element_type3A_7 = arith.extui %eq3A_6 : i1 to i32
    %cond3A_8 = arith.constant 0 : i32
    %cond3A_9 = arith.cmpi ne, %convert_element_type3A_7, %cond3A_8 : i32
    scf.if %cond3A_9 {
      "tpu.region"() ({
        %run_scoped3A = tpu.sem_alloc : memref<!tpu.dma_semaphore, #tpu.memory_space<semaphore_mem>>
        %dma_start3A = arith.constant 0 : i32
        %dma_start3A_16 = tpu.memref_slice %arg10[%mul3A_2, %dma_start3A] : memref<10240x128xf32, #tpu.memory_space<vmem_shared>> -> memref<640x128xf32, #tpu.memory_space<vmem_shared>>
        %dma_start3A_17 = arith.constant 0 : i32
        %dma_start3A_18 = tpu.memref_slice %arg5[%mul3A_2, %dma_start3A_17] : memref<10240x128xf32, #tpu.memory_space<hbm>> -> memref<640x128xf32, #tpu.memory_space<hbm>>
        tpu.enqueue_dma source(%dma_start3A_18 : memref<640x128xf32, #tpu.memory_space<hbm>>) target(%dma_start3A_16 : memref<640x128xf32, #tpu.memory_space<vmem_shared>>) target_semaphore(%run_scoped3A : memref<!tpu.dma_semaphore, #tpu.memory_space<semaphore_mem>>)
        %dma_wait3A = arith.constant 0 : i32
        %dma_wait3A_19 = tpu.memref_slice %arg10[%mul3A_2, %dma_wait3A] : memref<10240x128xf32, #tpu.memory_space<vmem_shared>> -> memref<640x128xf32, #tpu.memory_space<vmem_shared>>
        %dma_wait3A_20 = arith.constant 0 : i32
        %dma_wait3A_21 = tpu.memref_slice %arg5[%mul3A_2, %dma_wait3A_20] : memref<10240x128xf32, #tpu.memory_space<hbm>> -> memref<640x128xf32, #tpu.memory_space<hbm>>
        tpu.wait_dma2 semaphore(%run_scoped3A : memref<!tpu.dma_semaphore, #tpu.memory_space<semaphore_mem>>) src(%dma_wait3A_21 : memref<640x128xf32, #tpu.memory_space<hbm>>) dst(%dma_wait3A_19 : memref<640x128xf32, #tpu.memory_space<vmem_shared>>)
        tpu.yield
      }) : () -> ()
    } else {
    }
    "tpu.region"() ({
      %run_scoped3A = tpu.sem_alloc : memref<!tpu.dma_semaphore, #tpu.memory_space<semaphore_mem>>
      %dma_start3A = arith.constant 0 : i32
      %dma_start3A_16 = arith.constant 0 : i32
      %dma_start3A_17 = tpu.memref_slice %arg2[%add3A, %dma_start3A, %dma_start3A_16] : memref<32x79x128xi32, #tpu.memory_space<hbm>> -> memref<1x79x128xi32, #tpu.memory_space<hbm>>
      %dma_start3A_18 = tpu.memref_squeeze %dma_start3A_17 : memref<1x79x128xi32, #tpu.memory_space<hbm>> -> memref<79x128xi32, #tpu.memory_space<hbm>>
      %dma_start3A_19 = arith.constant 0 : i32
      %dma_start3A_20 = arith.constant 0 : i32
      %dma_start3A_21 = tpu.memref_slice %arg2[%add3A, %dma_start3A_19, %dma_start3A_20] : memref<32x79x128xi32, #tpu.memory_space<hbm>> -> memref<1x79x128xi32, #tpu.memory_space<hbm>>
      %dma_start3A_22 = tpu.memref_squeeze %dma_start3A_21 : memref<1x79x128xi32, #tpu.memory_space<hbm>> -> memref<79x128xi32, #tpu.memory_space<hbm>>
      tpu.enqueue_dma source(%dma_start3A_22 : memref<79x128xi32, #tpu.memory_space<hbm>>) target(%arg7 : memref<79x128xi32, #tpu.memory_space<vmem>>) target_semaphore(%run_scoped3A : memref<!tpu.dma_semaphore, #tpu.memory_space<semaphore_mem>>)
      %dma_wait3A = arith.constant 0 : i32
      %dma_wait3A_23 = arith.constant 0 : i32
      %dma_wait3A_24 = tpu.memref_slice %arg2[%add3A, %dma_wait3A, %dma_wait3A_23] : memref<32x79x128xi32, #tpu.memory_space<hbm>> -> memref<1x79x128xi32, #tpu.memory_space<hbm>>
      %dma_wait3A_25 = tpu.memref_squeeze %dma_wait3A_24 : memref<1x79x128xi32, #tpu.memory_space<hbm>> -> memref<79x128xi32, #tpu.memory_space<hbm>>
      %dma_wait3A_26 = arith.constant 0 : i32
      %dma_wait3A_27 = arith.constant 0 : i32
      %dma_wait3A_28 = tpu.memref_slice %arg2[%add3A, %dma_wait3A_26, %dma_wait3A_27] : memref<32x79x128xi32, #tpu.memory_space<hbm>> -> memref<1x79x128xi32, #tpu.memory_space<hbm>>
      %dma_wait3A_29 = tpu.memref_squeeze %dma_wait3A_28 : memref<1x79x128xi32, #tpu.memory_space<hbm>> -> memref<79x128xi32, #tpu.memory_space<hbm>>
      tpu.wait_dma2 semaphore(%run_scoped3A : memref<!tpu.dma_semaphore, #tpu.memory_space<semaphore_mem>>) src(%dma_wait3A_29 : memref<79x128xi32, #tpu.memory_space<hbm>>) dst(%arg7 : memref<79x128xi32, #tpu.memory_space<vmem>>)
      tpu.yield
    }) : () -> ()
    "tpu.region"() ({
      %run_scoped3A = tpu.sem_alloc : memref<!tpu.dma_semaphore, #tpu.memory_space<semaphore_mem>>
      %dma_start3A = arith.constant 0 : i32
      %dma_start3A_16 = arith.constant 0 : i32
      %dma_start3A_17 = tpu.memref_slice %arg3[%add3A, %dma_start3A, %dma_start3A_16] : memref<32x79x128xi32, #tpu.memory_space<hbm>> -> memref<1x79x128xi32, #tpu.memory_space<hbm>>
      %dma_start3A_18 = tpu.memref_squeeze %dma_start3A_17 : memref<1x79x128xi32, #tpu.memory_space<hbm>> -> memref<79x128xi32, #tpu.memory_space<hbm>>
      %dma_start3A_19 = arith.constant 0 : i32
      %dma_start3A_20 = arith.constant 0 : i32
      %dma_start3A_21 = tpu.memref_slice %arg3[%add3A, %dma_start3A_19, %dma_start3A_20] : memref<32x79x128xi32, #tpu.memory_space<hbm>> -> memref<1x79x128xi32, #tpu.memory_space<hbm>>
      %dma_start3A_22 = tpu.memref_squeeze %dma_start3A_21 : memref<1x79x128xi32, #tpu.memory_space<hbm>> -> memref<79x128xi32, #tpu.memory_space<hbm>>
      tpu.enqueue_dma source(%dma_start3A_22 : memref<79x128xi32, #tpu.memory_space<hbm>>) target(%arg8 : memref<79x128xi32, #tpu.memory_space<vmem>>) target_semaphore(%run_scoped3A : memref<!tpu.dma_semaphore, #tpu.memory_space<semaphore_mem>>)
      %dma_wait3A = arith.constant 0 : i32
      %dma_wait3A_23 = arith.constant 0 : i32
      %dma_wait3A_24 = tpu.memref_slice %arg3[%add3A, %dma_wait3A, %dma_wait3A_23] : memref<32x79x128xi32, #tpu.memory_space<hbm>> -> memref<1x79x128xi32, #tpu.memory_space<hbm>>
      %dma_wait3A_25 = tpu.memref_squeeze %dma_wait3A_24 : memref<1x79x128xi32, #tpu.memory_space<hbm>> -> memref<79x128xi32, #tpu.memory_space<hbm>>
      %dma_wait3A_26 = arith.constant 0 : i32
      %dma_wait3A_27 = arith.constant 0 : i32
      %dma_wait3A_28 = tpu.memref_slice %arg3[%add3A, %dma_wait3A_26, %dma_wait3A_27] : memref<32x79x128xi32, #tpu.memory_space<hbm>> -> memref<1x79x128xi32, #tpu.memory_space<hbm>>
      %dma_wait3A_29 = tpu.memref_squeeze %dma_wait3A_28 : memref<1x79x128xi32, #tpu.memory_space<hbm>> -> memref<79x128xi32, #tpu.memory_space<hbm>>
      tpu.wait_dma2 semaphore(%run_scoped3A : memref<!tpu.dma_semaphore, #tpu.memory_space<semaphore_mem>>) src(%dma_wait3A_29 : memref<79x128xi32, #tpu.memory_space<hbm>>) dst(%arg8 : memref<79x128xi32, #tpu.memory_space<vmem>>)
      tpu.yield
    }) : () -> ()
    %barrier3A = arith.constant 0 : index
    tpu.barrier barrier_id(%barrier3A)
    %scan3A = arith.constant 0 : i32
    %scan3A_10 = arith.constant 0 : i32
    %scan3A_11 = arith.constant 79 : i32
    %scan3A_12 = arith.addi %scan3A_10, %scan3A_11 : i32
    %scan3A_13 = arith.constant 1 : i32
    scf.for %scan3A_16 = %scan3A_10 to %scan3A_12 step %scan3A_13  : i32 {
      %dma_start3A = arith.constant 0 : i32
      %dma_start3A_17 = tpu.memref_slice %arg7[%scan3A_16, %dma_start3A] : memref<79x128xi32, #tpu.memory_space<vmem>> -> memref<1x128xi32, #tpu.memory_space<vmem>>
      %dma_start3A_18 = tpu.memref_squeeze %dma_start3A_17 : memref<1x128xi32, #tpu.memory_space<vmem>> -> memref<128xi32, #tpu.memory_space<vmem>>
      %dma_start3A_19 = arith.constant 0 : i32
      %dma_start3A_20 = arith.constant 0 : i32
      %dma_start3A_21 = tpu.memref_slice %arg4[%dma_start3A_19, %dma_start3A_20] : memref<10240x128xf32, #tpu.memory_space<hbm>> -> memref<10240x128xf32, #tpu.memory_space<hbm>>
      tpu.enqueue_indirect_dma source(%dma_start3A_21 : memref<10240x128xf32, #tpu.memory_space<hbm>>) target(%arg9 : memref<128x128xf32, #tpu.memory_space<vmem>>) offsets(%dma_start3A_18 : memref<128xi32, #tpu.memory_space<vmem>>) semaphore(%arg11 : memref<!tpu.dma_semaphore, #tpu.memory_space<semaphore_mem>>)
      %dma_wait3A = arith.constant 0 : i32
      %dma_wait3A_22 = tpu.memref_slice %arg7[%scan3A_16, %dma_wait3A] : memref<79x128xi32, #tpu.memory_space<vmem>> -> memref<1x128xi32, #tpu.memory_space<vmem>>
      %dma_wait3A_23 = tpu.memref_squeeze %dma_wait3A_22 : memref<1x128xi32, #tpu.memory_space<vmem>> -> memref<128xi32, #tpu.memory_space<vmem>>
      %dma_wait3A_24 = arith.constant 0 : i32
      %dma_wait3A_25 = arith.constant 0 : i32
      %dma_wait3A_26 = tpu.memref_slice %arg4[%dma_wait3A_24, %dma_wait3A_25] : memref<10240x128xf32, #tpu.memory_space<hbm>> -> memref<10240x128xf32, #tpu.memory_space<hbm>>
      tpu.wait_indirect_dma semaphore(%arg11 : memref<!tpu.dma_semaphore, #tpu.memory_space<semaphore_mem>>) src(%dma_wait3A_26 : memref<10240x128xf32, #tpu.memory_space<hbm>>) dst(%arg9 : memref<128x128xf32, #tpu.memory_space<vmem>>)
      "tpu.region"() ({
        %run_scoped3A = tpu.sem_alloc : memref<!tpu.dma_semaphore, #tpu.memory_space<semaphore_mem>>
        %dma_start3A_27 = arith.constant 0 : i32
        %dma_start3A_28 = tpu.memref_slice %arg8[%scan3A_16, %dma_start3A_27] : memref<79x128xi32, #tpu.memory_space<vmem>> -> memref<1x128xi32, #tpu.memory_space<vmem>>
        %dma_start3A_29 = tpu.memref_squeeze %dma_start3A_28 : memref<1x128xi32, #tpu.memory_space<vmem>> -> memref<128xi32, #tpu.memory_space<vmem>>
        %dma_start3A_30 = arith.constant 0 : i32
        %dma_start3A_31 = arith.constant 0 : i32
        %dma_start3A_32 = tpu.memref_slice %arg10[%dma_start3A_30, %dma_start3A_31] : memref<10240x128xf32, #tpu.memory_space<vmem_shared>> -> memref<10240x128xf32, #tpu.memory_space<vmem_shared>>
        tpu.enqueue_indirect_dma source(%arg9 : memref<128x128xf32, #tpu.memory_space<vmem>>) target(%dma_start3A_32 : memref<10240x128xf32, #tpu.memory_space<vmem_shared>>) offsets(%dma_start3A_29 : memref<128xi32, #tpu.memory_space<vmem>>) semaphore(%run_scoped3A : memref<!tpu.dma_semaphore, #tpu.memory_space<semaphore_mem>>) {add = true}
        %dma_wait3A_33 = arith.constant 0 : i32
        %dma_wait3A_34 = tpu.memref_slice %arg8[%scan3A_16, %dma_wait3A_33] : memref<79x128xi32, #tpu.memory_space<vmem>> -> memref<1x128xi32, #tpu.memory_space<vmem>>
        %dma_wait3A_35 = tpu.memref_squeeze %dma_wait3A_34 : memref<1x128xi32, #tpu.memory_space<vmem>> -> memref<128xi32, #tpu.memory_space<vmem>>
        %dma_wait3A_36 = arith.constant 0 : i32
        %dma_wait3A_37 = arith.constant 0 : i32
        %dma_wait3A_38 = tpu.memref_slice %arg10[%dma_wait3A_36, %dma_wait3A_37] : memref<10240x128xf32, #tpu.memory_space<vmem_shared>> -> memref<10240x128xf32, #tpu.memory_space<vmem_shared>>
        tpu.wait_indirect_dma semaphore(%run_scoped3A : memref<!tpu.dma_semaphore, #tpu.memory_space<semaphore_mem>>) src(%arg9 : memref<128x128xf32, #tpu.memory_space<vmem>>) dst(%dma_wait3A_38 : memref<10240x128xf32, #tpu.memory_space<vmem_shared>>)
        tpu.yield
      }) : () -> ()
    }
    %scan3A_14 = arith.constant 79 : i32
    %barrier3A_15 = arith.constant 0 : index
    tpu.barrier barrier_id(%barrier3A_15)
    "tpu.region"() ({
      %run_scoped3A = tpu.sem_alloc : memref<!tpu.dma_semaphore, #tpu.memory_space<semaphore_mem>>
      %dma_start3A = arith.constant 0 : i32
      %dma_start3A_16 = tpu.memref_slice %arg6[%arg0, %mul3A_2, %dma_start3A] : memref<2x10240x128xf32, #tpu.memory_space<hbm>> -> memref<1x640x128xf32, #tpu.memory_space<hbm>>
      %dma_start3A_17 = tpu.memref_squeeze %dma_start3A_16 : memref<1x640x128xf32, #tpu.memory_space<hbm>> -> memref<640x128xf32, #tpu.memory_space<hbm>>
      %dma_start3A_18 = arith.constant 0 : i32
      %dma_start3A_19 = tpu.memref_slice %arg10[%mul3A_2, %dma_start3A_18] : memref<10240x128xf32, #tpu.memory_space<vmem_shared>> -> memref<640x128xf32, #tpu.memory_space<vmem_shared>>
      tpu.enqueue_dma source(%dma_start3A_19 : memref<640x128xf32, #tpu.memory_space<vmem_shared>>) target(%dma_start3A_17 : memref<640x128xf32, #tpu.memory_space<hbm>>) target_semaphore(%run_scoped3A : memref<!tpu.dma_semaphore, #tpu.memory_space<semaphore_mem>>)
      %dma_wait3A = arith.constant 0 : i32
      %dma_wait3A_20 = tpu.memref_slice %arg6[%arg0, %mul3A_2, %dma_wait3A] : memref<2x10240x128xf32, #tpu.memory_space<hbm>> -> memref<1x640x128xf32, #tpu.memory_space<hbm>>
      %dma_wait3A_21 = tpu.memref_squeeze %dma_wait3A_20 : memref<1x640x128xf32, #tpu.memory_space<hbm>> -> memref<640x128xf32, #tpu.memory_space<hbm>>
      %dma_wait3A_22 = arith.constant 0 : i32
      %dma_wait3A_23 = tpu.memref_slice %arg10[%mul3A_2, %dma_wait3A_22] : memref<10240x128xf32, #tpu.memory_space<vmem_shared>> -> memref<640x128xf32, #tpu.memory_space<vmem_shared>>
      tpu.wait_dma2 semaphore(%run_scoped3A : memref<!tpu.dma_semaphore, #tpu.memory_space<semaphore_mem>>) src(%dma_wait3A_23 : memref<640x128xf32, #tpu.memory_space<vmem_shared>>) dst(%dma_wait3A_21 : memref<640x128xf32, #tpu.memory_space<hbm>>)
      tpu.yield
    }) : () -> ()
    return
  }
}

module attributes {stable_mosaic.version = 14 : i64} {
  func.func @_proj_body(%arg0: memref<5000x128xf32, #tpu.memory_space<vmem>>, %arg1: memref<128x128xf32, #tpu.memory_space<vmem>>, %arg2: memref<1x128xf32, #tpu.memory_space<vmem>>, %arg3: memref<5000x128xf32, #tpu.memory_space<vmem>>) attributes {dimension_semantics = [], scalar_prefetch = 0 : i64, scratch_operands = 0 : i64, tpu.core_type = #tpu.core_type<tc>} {
    %get3A = arith.constant 0 : index
    %get3A_0 = arith.constant 0 : index
    %get3A_1 = vector.load %arg1[%get3A, %get3A_0] : memref<128x128xf32, #tpu.memory_space<vmem>>, vector<128x128xf32>
    %get3A_2 = arith.constant 0 : index
    %get3A_3 = arith.constant 0 : index
    %get3A_4 = vector.load %arg2[%get3A_2, %get3A_3] : memref<1x128xf32, #tpu.memory_space<vmem>>, vector<1x128xf32>
    %mul3A = vector.broadcast %get3A_4 : vector<1x128xf32> to vector<128x128xf32>
    %mul3A_5 = arith.mulf %get3A_1, %mul3A : vector<128x128xf32>
    %get3A_6 = arith.constant 0 : index
    %get3A_7 = arith.constant 0 : index
    %get3A_8 = vector.load %arg0[%get3A_6, %get3A_7] : memref<5000x128xf32, #tpu.memory_space<vmem>>, vector<5000x128xf32>
    %dot_general3A = arith.constant dense<0.000000e+00> : vector<5000x128xf32>
    %dot_general3A_9 = tpu.matmul %get3A_8, %mul3A_5, %dot_general3A {dimension_numbers = #tpu.dot_dimension_numbers<[1], [0], [0], [1], [0, 0, 1, 1], [], []>, precision = #tpu.contract_precision<fp32>, transpose_lhs_hint = false} : vector<5000x128xf32>, vector<128x128xf32>, vector<5000x128xf32> -> vector<5000x128xf32>
    %swap3A = arith.constant 0 : index
    %swap3A_10 = arith.constant 0 : index
    %swap3A_11 = vector.load %arg3[%swap3A, %swap3A_10] : memref<5000x128xf32, #tpu.memory_space<vmem>>, vector<5000x128xf32>
    tpu.vector_store %arg3[%swap3A, %swap3A_10], %dot_general3A_9 {strides = array<i32>} : memref<5000x128xf32, #tpu.memory_space<vmem>>, vector<5000x128xf32>,
    return
  }
}

module attributes {stable_mosaic.version = 14 : i64} {
  func.func @_zs_body(%arg0: i32, %arg1: memref<512x5000xf32, #tpu.memory_space<vmem>>, %arg2: memref<5000x128xf32, #tpu.memory_space<vmem>>, %arg3: memref<512x128xf32, #tpu.memory_space<vmem>>, %arg4: memref<128x128xf32, #tpu.memory_space<vmem>>, %arg5: memref<1x128xf32, #tpu.memory_space<vmem>>, %arg6: memref<512x1xf32, #tpu.memory_space<vmem>>, %arg7: memref<512x128xf32, #tpu.memory_space<vmem>>) attributes {dimension_semantics = [#tpu.dimension_semantics<parallel>], iteration_bounds = array<i64: 20>, scalar_prefetch = 0 : i64, scratch_operands = 0 : i64, tpu.core_type = #tpu.core_type<tc>, window_params = [{transform_indices = @transform_0, window_bounds = array<i64: 512, 5000>}, {pipeline_mode = #tpu.pipeline_mode<synchronous>, transform_indices = @transform_1, window_bounds = array<i64: 5000, 128>}, {transform_indices = @transform_2, window_bounds = array<i64: 512, 128>}, {pipeline_mode = #tpu.pipeline_mode<synchronous>, transform_indices = @transform_3, window_bounds = array<i64: 128, 128>}, {pipeline_mode = #tpu.pipeline_mode<synchronous>, transform_indices = @transform_4, window_bounds = array<i64: 1, 128>}, {transform_indices = @transform_5, window_bounds = array<i64: 512, 1>}, {transform_indices = @transform_6, window_bounds = array<i64: 512, 128>}]} {
    %get3A = arith.constant 0 : index
    %get3A_0 = arith.constant 0 : index
    %get3A_1 = vector.load %arg4[%get3A, %get3A_0] : memref<128x128xf32, #tpu.memory_space<vmem>>, vector<128x128xf32>
    %get3A_2 = arith.constant 0 : index
    %get3A_3 = arith.constant 0 : index
    %get3A_4 = vector.load %arg5[%get3A_2, %get3A_3] : memref<1x128xf32, #tpu.memory_space<vmem>>, vector<1x128xf32>
    %mul3A = vector.broadcast %get3A_4 : vector<1x128xf32> to vector<128x128xf32>
    %mul3A_5 = arith.mulf %get3A_1, %mul3A : vector<128x128xf32>
    %get3A_6 = arith.constant 0 : index
    %get3A_7 = arith.constant 0 : index
    %get3A_8 = vector.load %arg1[%get3A_6, %get3A_7] : memref<512x5000xf32, #tpu.memory_space<vmem>>, vector<512x5000xf32>
    %get3A_9 = arith.constant 0 : index
    %get3A_10 = arith.constant 0 : index
    %get3A_11 = vector.load %arg2[%get3A_9, %get3A_10] : memref<5000x128xf32, #tpu.memory_space<vmem>>, vector<5000x128xf32>
    %dot_general3A = arith.constant dense<0.000000e+00> : vector<512x128xf32>
    %dot_general3A_12 = tpu.matmul %get3A_8, %get3A_11, %dot_general3A {dimension_numbers = #tpu.dot_dimension_numbers<[1], [0], [0], [1], [0, 0, 1, 1], [], []>, precision = #tpu.contract_precision<fp32>, transpose_lhs_hint = false} : vector<512x5000xf32>, vector<5000x128xf32>, vector<512x128xf32> -> vector<512x128xf32>
    %get3A_13 = arith.constant 0 : index
    %get3A_14 = arith.constant 0 : index
    %get3A_15 = vector.load %arg3[%get3A_13, %get3A_14] : memref<512x128xf32, #tpu.memory_space<vmem>>, vector<512x128xf32>
    %dot_general3A_16 = arith.constant dense<0.000000e+00> : vector<512x128xf32>
    %dot_general3A_17 = tpu.matmul %get3A_15, %mul3A_5, %dot_general3A_16 {dimension_numbers = #tpu.dot_dimension_numbers<[1], [0], [0], [1], [0, 0, 1, 1], [], []>, precision = #tpu.contract_precision<fp32>, transpose_lhs_hint = false} : vector<512x128xf32>, vector<128x128xf32>, vector<512x128xf32> -> vector<512x128xf32>
    %add3A = arith.addf %dot_general3A_12, %dot_general3A_17 : vector<512x128xf32>
    %get3A_18 = arith.constant 0 : index
    %get3A_19 = arith.constant 0 : index
    %get3A_20 = vector.load %arg6[%get3A_18, %get3A_19] : memref<512x1xf32, #tpu.memory_space<vmem>>, vector<512x1xf32>
    %add3A_21 = arith.constant 1.000000e+00 : f32
    %add3A_22 = vector.broadcast %add3A_21 : f32 to vector<512x1xf32>
    %add3A_23 = arith.addf %get3A_20, %add3A_22 : vector<512x1xf32>
    %rsqrt3A = math.rsqrt %add3A_23 : vector<512x1xf32>
    %mul3A_24 = vector.broadcast %rsqrt3A : vector<512x1xf32> to vector<512x128xf32>
    %mul3A_25 = arith.mulf %add3A, %mul3A_24 : vector<512x128xf32>
    %swap3A = arith.constant 0 : index
    %swap3A_26 = arith.constant 0 : index
    %swap3A_27 = vector.load %arg7[%swap3A, %swap3A_26] : memref<512x128xf32, #tpu.memory_space<vmem>>, vector<512x128xf32>
    tpu.vector_store %arg7[%swap3A, %swap3A_26], %mul3A_25 {strides = array<i32>} : memref<512x128xf32, #tpu.memory_space<vmem>>, vector<512x128xf32>,
    return
  }
  func.func @transform_0(%arg0: i32) -> (i32, i32) {
    %c0_i32 = arith.constant 0 : i32
    %c0_i32_0 = arith.constant 0 : i32
    return %arg0, %c0_i32 : i32, i32
  }
  func.func @transform_1(%arg0: i32) -> (i32, i32) {
    %c0_i32 = arith.constant 0 : i32
    %c0_i32_0 = arith.constant 0 : i32
    %c0_i32_1 = arith.constant 0 : i32
    return %c0_i32, %c0_i32_0 : i32, i32
  }
  func.func @transform_2(%arg0: i32) -> (i32, i32) {
    %c0_i32 = arith.constant 0 : i32
    %c0_i32_0 = arith.constant 0 : i32
    return %arg0, %c0_i32 : i32, i32
  }
  func.func @transform_3(%arg0: i32) -> (i32, i32) {
    %c0_i32 = arith.constant 0 : i32
    %c0_i32_0 = arith.constant 0 : i32
    %c0_i32_1 = arith.constant 0 : i32
    return %c0_i32, %c0_i32_0 : i32, i32
  }
  func.func @transform_4(%arg0: i32) -> (i32, i32) {
    %c0_i32 = arith.constant 0 : i32
    %c0_i32_0 = arith.constant 0 : i32
    %c0_i32_1 = arith.constant 0 : i32
    return %c0_i32, %c0_i32_0 : i32, i32
  }
  func.func @transform_5(%arg0: i32) -> (i32, i32) {
    %c0_i32 = arith.constant 0 : i32
    %c0_i32_0 = arith.constant 0 : i32
    return %arg0, %c0_i32 : i32, i32
  }
  func.func @transform_6(%arg0: i32) -> (i32, i32) {
    %c0_i32 = arith.constant 0 : i32
    %c0_i32_0 = arith.constant 0 : i32
    return %arg0, %c0_i32 : i32, i32
  }
}

module attributes {stable_mosaic.version = 14 : i64} {
  func.func @_final_body(%arg0: i32, %arg1: memref<1x400x128xf32, #tpu.memory_space<vmem>>, %arg2: memref<1x400x128xf32, #tpu.memory_space<vmem>>, %arg3: memref<400x1xf32, #tpu.memory_space<vmem>>, %arg4: memref<1x128xf32, #tpu.memory_space<vmem>>, %arg5: memref<1x128xf32, #tpu.memory_space<vmem>>, %arg6: memref<1x128xf32, #tpu.memory_space<vmem>>, %arg7: memref<1x128xf32, #tpu.memory_space<vmem>>, %arg8: memref<1x128xf32, #tpu.memory_space<vmem>>, %arg9: memref<1x128xf32, #tpu.memory_space<vmem>>, %arg10: memref<400x128xf32, #tpu.memory_space<vmem>>) attributes {dimension_semantics = [#tpu.dimension_semantics<arbitrary>], iteration_bounds = array<i64: 25>, scalar_prefetch = 0 : i64, scratch_operands = 0 : i64, tpu.core_type = #tpu.core_type<tc>, window_params = [{transform_indices = @transform_0, window_bounds = array<i64: 1, 400, 128>}, {transform_indices = @transform_1, window_bounds = array<i64: 1, 400, 128>}, {transform_indices = @transform_2, window_bounds = array<i64: 400, 1>}, {pipeline_mode = #tpu.pipeline_mode<synchronous>, transform_indices = @transform_3, window_bounds = array<i64: 1, 128>}, {pipeline_mode = #tpu.pipeline_mode<synchronous>, transform_indices = @transform_4, window_bounds = array<i64: 1, 128>}, {pipeline_mode = #tpu.pipeline_mode<synchronous>, transform_indices = @transform_5, window_bounds = array<i64: 1, 128>}, {pipeline_mode = #tpu.pipeline_mode<synchronous>, transform_indices = @transform_6, window_bounds = array<i64: 1, 128>}, {pipeline_mode = #tpu.pipeline_mode<synchronous>, transform_indices = @transform_7, window_bounds = array<i64: 1, 128>}, {pipeline_mode = #tpu.pipeline_mode<synchronous>, transform_indices = @transform_8, window_bounds = array<i64: 1, 128>}, {transform_indices = @transform_9, window_bounds = array<i64: 400, 128>}]} {
    %get3A = arith.constant 0 : index
    %get3A_0 = arith.constant 0 : index
    %get3A_1 = vector.load %arg4[%get3A, %get3A_0] : memref<1x128xf32, #tpu.memory_space<vmem>>, vector<1x128xf32>
    %get3A_2 = arith.constant 0 : index
    %get3A_3 = arith.constant 0 : index
    %get3A_4 = vector.load %arg5[%get3A_2, %get3A_3] : memref<1x128xf32, #tpu.memory_space<vmem>>, vector<1x128xf32>
    %mul3A = arith.mulf %get3A_1, %get3A_4 : vector<1x128xf32>
    %get3A_5 = arith.constant 0 : index
    %get3A_6 = arith.constant 0 : index
    %get3A_7 = vector.load %arg6[%get3A_5, %get3A_6] : memref<1x128xf32, #tpu.memory_space<vmem>>, vector<1x128xf32>
    %get3A_8 = arith.constant 0 : index
    %get3A_9 = arith.constant 0 : index
    %get3A_10 = vector.load %arg7[%get3A_8, %get3A_9] : memref<1x128xf32, #tpu.memory_space<vmem>>, vector<1x128xf32>
    %mul3A_11 = arith.mulf %get3A_7, %get3A_10 : vector<1x128xf32>
    %add3A = arith.addf %mul3A, %mul3A_11 : vector<1x128xf32>
    %get3A_12 = arith.constant 0 : index
    %get3A_13 = arith.constant 0 : index
    %get3A_14 = arith.constant 0 : index
    %get3A_15 = vector.load %arg1[%get3A_12, %get3A_13, %get3A_14] : memref<1x400x128xf32, #tpu.memory_space<vmem>>, vector<1x400x128xf32>
    %get3A_16 = vector.shape_cast %get3A_15 : vector<1x400x128xf32> to vector<400x128xf32>
    %get3A_17 = arith.constant 0 : index
    %get3A_18 = arith.constant 0 : index
    %get3A_19 = arith.constant 0 : index
    %get3A_20 = vector.load %arg2[%get3A_17, %get3A_18, %get3A_19] : memref<1x400x128xf32, #tpu.memory_space<vmem>>, vector<1x400x128xf32>
    %get3A_21 = vector.shape_cast %get3A_20 : vector<1x400x128xf32> to vector<400x128xf32>
    %add3A_22 = arith.addf %get3A_16, %get3A_21 : vector<400x128xf32>
    %get3A_23 = arith.constant 0 : index
    %get3A_24 = arith.constant 0 : index
    %get3A_25 = vector.load %arg3[%get3A_23, %get3A_24] : memref<400x1xf32, #tpu.memory_space<vmem>>, vector<400x1xf32>
    %add3A_26 = arith.constant 1.000000e+00 : f32
    %add3A_27 = vector.broadcast %add3A_26 : f32 to vector<400x1xf32>
    %add3A_28 = arith.addf %get3A_25, %add3A_27 : vector<400x1xf32>
    %rsqrt3A = math.rsqrt %add3A_28 : vector<400x1xf32>
    %mul3A_29 = vector.broadcast %rsqrt3A : vector<400x1xf32> to vector<400x128xf32>
    %mul3A_30 = arith.mulf %add3A_22, %mul3A_29 : vector<400x128xf32>
    %add3A_31 = vector.broadcast %add3A : vector<1x128xf32> to vector<400x128xf32>
    %add3A_32 = arith.addf %mul3A_30, %add3A_31 : vector<400x128xf32>
    %reduce_sum3A = arith.constant dense<0.000000e+00> : vector<400xf32>
    %reduce_sum3A_33 = vector.multi_reduction <add>, %add3A_32, %reduce_sum3A [1] : vector<400x128xf32> to vector<400xf32>
    %broadcast_in_dim3A = vector.shape_cast %reduce_sum3A_33 : vector<400xf32> to vector<400x1xf32>
    %div3A = arith.constant 1.280000e+02 : f32
    %div3A_34 = vector.broadcast %div3A : f32 to vector<400x1xf32>
    %div3A_35 = arith.divf %broadcast_in_dim3A, %div3A_34 : vector<400x1xf32>
    %sub3A = vector.broadcast %div3A_35 : vector<400x1xf32> to vector<400x128xf32>
    %sub3A_36 = arith.subf %add3A_32, %sub3A : vector<400x128xf32>
    %mul3A_37 = arith.mulf %sub3A_36, %sub3A_36 : vector<400x128xf32>
    %reduce_sum3A_38 = arith.constant dense<0.000000e+00> : vector<400xf32>
    %reduce_sum3A_39 = vector.multi_reduction <add>, %mul3A_37, %reduce_sum3A_38 [1] : vector<400x128xf32> to vector<400xf32>
    %broadcast_in_dim3A_40 = vector.shape_cast %reduce_sum3A_39 : vector<400xf32> to vector<400x1xf32>
    %div3A_41 = arith.constant 1.280000e+02 : f32
    %div3A_42 = vector.broadcast %div3A_41 : f32 to vector<400x1xf32>
    %div3A_43 = arith.divf %broadcast_in_dim3A_40, %div3A_42 : vector<400x1xf32>
    %add3A_44 = arith.constant 9.99999974E-6 : f32
    %add3A_45 = vector.broadcast %add3A_44 : f32 to vector<400x1xf32>
    %add3A_46 = arith.addf %div3A_43, %add3A_45 : vector<400x1xf32>
    %rsqrt3A_47 = math.rsqrt %add3A_46 : vector<400x1xf32>
    %mul3A_48 = vector.broadcast %rsqrt3A_47 : vector<400x1xf32> to vector<400x128xf32>
    %mul3A_49 = arith.mulf %sub3A_36, %mul3A_48 : vector<400x128xf32>
    %get3A_50 = arith.constant 0 : index
    %get3A_51 = arith.constant 0 : index
    %get3A_52 = vector.load %arg8[%get3A_50, %get3A_51] : memref<1x128xf32, #tpu.memory_space<vmem>>, vector<1x128xf32>
    %mul3A_53 = vector.broadcast %get3A_52 : vector<1x128xf32> to vector<400x128xf32>
    %mul3A_54 = arith.mulf %mul3A_49, %mul3A_53 : vector<400x128xf32>
    %get3A_55 = arith.constant 0 : index
    %get3A_56 = arith.constant 0 : index
    %get3A_57 = vector.load %arg9[%get3A_55, %get3A_56] : memref<1x128xf32, #tpu.memory_space<vmem>>, vector<1x128xf32>
    %add3A_58 = vector.broadcast %get3A_57 : vector<1x128xf32> to vector<400x128xf32>
    %add3A_59 = arith.addf %mul3A_54, %add3A_58 : vector<400x128xf32>
    %max3A = arith.constant 0.000000e+00 : f32
    %max3A_60 = vector.broadcast %max3A : f32 to vector<400x128xf32>
    %max3A_61 = arith.maximumf %add3A_59, %max3A_60 : vector<400x128xf32>
    %swap3A = arith.constant 0 : index
    %swap3A_62 = arith.constant 0 : index
    %swap3A_63 = vector.load %arg10[%swap3A, %swap3A_62] : memref<400x128xf32, #tpu.memory_space<vmem>>, vector<400x128xf32>
    tpu.vector_store %arg10[%swap3A, %swap3A_62], %max3A_61 {strides = array<i32>} : memref<400x128xf32, #tpu.memory_space<vmem>>, vector<400x128xf32>,
    return
  }
  func.func @transform_0(%arg0: i32) -> (i32, i32, i32) {
    %c0_i32 = arith.constant 0 : i32
    %c0_i32_0 = arith.constant 0 : i32
    %c0_i32_1 = arith.constant 0 : i32
    return %c0_i32, %arg0, %c0_i32_0 : i32, i32, i32
  }
  func.func @transform_1(%arg0: i32) -> (i32, i32, i32) {
    %c1_i32 = arith.constant 1 : i32
    %c0_i32 = arith.constant 0 : i32
    %c0_i32_0 = arith.constant 0 : i32
    return %c1_i32, %arg0, %c0_i32 : i32, i32, i32
  }
  func.func @transform_2(%arg0: i32) -> (i32, i32) {
    %c0_i32 = arith.constant 0 : i32
    %c0_i32_0 = arith.constant 0 : i32
    return %arg0, %c0_i32 : i32, i32
  }
  func.func @transform_3(%arg0: i32) -> (i32, i32) {
    %c0_i32 = arith.constant 0 : i32
    %c0_i32_0 = arith.constant 0 : i32
    %c0_i32_1 = arith.constant 0 : i32
    return %c0_i32, %c0_i32_0 : i32, i32
  }
  func.func @transform_4(%arg0: i32) -> (i32, i32) {
    %c0_i32 = arith.constant 0 : i32
    %c0_i32_0 = arith.constant 0 : i32
    %c0_i32_1 = arith.constant 0 : i32
    return %c0_i32, %c0_i32_0 : i32, i32
  }
  func.func @transform_5(%arg0: i32) -> (i32, i32) {
    %c0_i32 = arith.constant 0 : i32
    %c0_i32_0 = arith.constant 0 : i32
    %c0_i32_1 = arith.constant 0 : i32
    return %c0_i32, %c0_i32_0 : i32, i32
  }
  func.func @transform_6(%arg0: i32) -> (i32, i32) {
    %c0_i32 = arith.constant 0 : i32
    %c0_i32_0 = arith.constant 0 : i32
    %c0_i32_1 = arith.constant 0 : i32
    return %c0_i32, %c0_i32_0 : i32, i32
  }
  func.func @transform_7(%arg0: i32) -> (i32, i32) {
    %c0_i32 = arith.constant 0 : i32
    %c0_i32_0 = arith.constant 0 : i32
    %c0_i32_1 = arith.constant 0 : i32
    return %c0_i32, %c0_i32_0 : i32, i32
  }
  func.func @transform_8(%arg0: i32) -> (i32, i32) {
    %c0_i32 = arith.constant 0 : i32
    %c0_i32_0 = arith.constant 0 : i32
    %c0_i32_1 = arith.constant 0 : i32
    return %c0_i32, %c0_i32_0 : i32, i32
  }
  func.func @transform_9(%arg0: i32) -> (i32, i32) {
    %c0_i32 = arith.constant 0 : i32
    %c0_i32_0 = arith.constant 0 : i32
    return %arg0, %c0_i32 : i32, i32
  }
}

</mosaic_0001>

<sc_bundles>
// kernel: kernel.10.cloned.1.call-start
scs
__scs_entry_jumppad:
0x0: {  	(pc) =	sbr.rel $0x88, $3  }
0x1: {  	(tag) =	ssettag $0x0;
	lr =	simm.s32 $0x1  }
0x2: {  	[smem:$0x3F95] =	sst lr;
	_ =	strace $0xD0000000  }
0x3: {  	_ = 	snop  }
0x4: {  	_ = 	snop  }
0x5: {  	_ = 	snop  }
0x6: {  	_ = 	snop  }
0x7: {  	_ = 	snop  }
__scs_overlays_trampoline_lowered:
0x8: {  	[smem:$0x3FA4] =	sst s0  }
0x9: {  	[smem:$0x3FA5] =	sst s1  }
0xa: {  	[smem:$0x3FA6] =	sst s2  }
0xb: {  	[smem:$0x3FA7] =	sst s3  }
0xc: {  	[smem:$0x3FA8] =	sst s4  }
0xd: {  	[smem:$0x3FA9] =	sst s5  }
0xe: {  	[smem:$0x3FAA] =	sst s6  }
0xf: {  	[smem:$0x3FAB] =	sst s7  }
0x10: {  	[smem:$0x3FAC] =	sst s8  }
0x11: {  	[smem:$0x3FAD] =	sst s9;
	s0 =	simm.s32 @!p0 $0x0  }
0x12: {  	s1 =	sld [smem:$0x3F93];
	s0 =	simm.s32 @p0 $0x1  }
0x13: {  	[smem:$0x3FAE] =	sst s0;
	s0 =	simm.s32 @!p1 $0x0  }
0x14: {  	s2 =	sld [smem:$0x3F92];
	s0 =	simm.s32 @p1 $0x1  }
0x15: {  	[smem:$0x3FAF] =	sst s0;
	s0 =	simm.s32 @!p2 $0x0  }
0x16: {  	s3 =	sld [smem:$0x3FDB];
	s0 =	simm.s32 @p2 $0x1  }
0x17: {  	s4 =	simm.s32 $0x1BF5;
	[smem:$0x3FB1] =	sst s0  }
0x18: {  	s0 =	sld [smem:$0x3F94];
	_ =	swait.ge [sflag:s4], $0x0  }
0x19: {  	s7 =	sld [smem:$0x3F95]  }
0x1a: {  	s8 =	sadd.s32 $0xFFFFE003, lr  }
0x1b: {  	s9 =	sadd.s32 $0xFFFFFEF7, lr;
	s5 =	simm.s32 $0xFFFFFFFF;
	p2 =	slt.u32 s8, $0xFFFFF086  }
0x1c: {  	p1 =	slt.u32 s9, $0xF7A;
	s5 =	simm.s32 @!p2 $0x0  }
0x1d: {  	s5 =	simm.s32 @p1 $0x1;
	p0 =	seq.s32 s7, s2  }
0x1e: {  	s7 =	smul.u32 @!p0 $0xF7A, s2;
	p2 =	seq.s32 @!p0 s5, $0x0  }
0x1f: {  	s9 =	smul.u32 $0xF7A, s1;
	s8 =	simm.s32 @!p0 $0x1BF5;
	p2 =	por !p2, p0  }
0x20: {  	[sflag:s8] =	ssyncset.s32 @!p0 $0xFFFFF086;
	s6 =	sadd.s32 @!p0 s3, s7;
	s7 =	simm.s32 @!p0 $0x108  }
0x21: {  	s3 =	sadd.s32 s3, s9;
	s6 =	sadd.s32 @!p0 $0x88, s6;
	s7 =	simm.s32 @p2 $0x1082  }
0x22: {  	[simem:s7], [sflag:s8] =	dma.local @!p0 [hbm:s6], $0xF7A  }
0x23: {  	s9 =	sor.u32 $0xD0000000, s2;
	s6 =	simm.s32 $0x108;
	_ =	swait.ge @!p0 [sflag:s8], $0x0  }
0x24: {  	s3 =	sadd.s32 $0x88, s3;
	s6 =	simm.s32 @!p1 $0x1082;
	[sflag:s4] =	ssyncset.s32 $0xFFFFF086  }
0x25: {  	[simem:s6], [sflag:s4] =	dma.local [hbm:s3], $0xF7A  }
0x26: {  	[smem:$0x3F95] =	sst s1;
	(tag) =	ssettag s2;
	_ =	strace s9  }
0x27: {  	s1 =	sld [smem:$0x3FA5]  }
0x28: {  	s2 =	sld [smem:$0x3FA6]  }
0x29: {  	s4 =	sld [smem:$0x3FA8]  }
0x2a: {  	p0 =	seq.s32 s5, $0x0;
	s5 =	sld [smem:$0x3FA9]  }
0x2b: {  	s6 =	sld [smem:$0x3FAA]  }
0x2c: {  	s7 =	sld [smem:$0x3FAB]  }
0x2d: {  	s3 =	simm.s32 $0x108;
	s8 =	sld [smem:$0x3FAC]  }
0x2e: {  	s3 =	simm.s32 @!p0 $0x1082;
	s9 =	sld [smem:$0x3FAD]  }
0x2f: {  	lr =	sadd.s32 s0, s3;
	s0 =	sld [smem:$0x3FA4]  }
0x30: {  	s3 =	sld [smem:$0x3FA7]  }
0x31: {  	[smem:$0x3FB0] =	sst s10  }
0x32: {  	s10 =	sld [smem:$0x3FAE];
	_ =	sdelay $0x3  }
0x33: {  	p0 =	seq.s32 s10, $0x1;
	s10 =	sld [smem:$0x3FB0];
	_ =	sdelay $0x3  }
0x34: {  	[smem:$0x3FB0] =	sst s10  }
0x35: {  	s10 =	sld [smem:$0x3FAF];
	_ =	sdelay $0x3  }
0x36: {  	p1 =	seq.s32 s10, $0x1;
	s10 =	sld [smem:$0x3FB0];
	_ =	sdelay $0x3  }
0x37: {  	[smem:$0x3FB0] =	sst s10  }
0x38: {  	s10 =	sld [smem:$0x3FB1]  }
0x39: {  	_ = 	snop;
	(pc) =	sbr.ind lr, $3  }
0x3a: {  	_ = 	snop  }
0x3b: {  	_ = 	snop  }
0x3c: {  	p2 =	seq.s32 s10, $0x1;
	s10 =	sld [smem:$0x3FB0]  }
0x3d: {  	_ =	shalt  }
0x3e: {  	_ =	shalt  }
0x3f: {  	_ =	shalt  }
0x40: {  	_ =	shalt  }
0x41: {  	_ =	shalt  }
0x42: {  	_ =	shalt  }
0x43: {  	_ =	shalt  }
0x44: {  	_ =	shalt  }
0x45: {  	_ =	shalt  }
0x46: {  	_ =	shalt  }
0x47: {  	_ =	shalt  }
0x48: {  	_ =	shalt  }
0x49: {  	_ =	shalt  }
0x4a: {  	_ =	shalt  }
0x4b: {  	_ =	shalt  }
0x4c: {  	_ =	shalt  }
0x4d: {  	_ =	shalt  }
0x4e: {  	_ =	shalt  }
0x4f: {  	_ =	shalt  }
0x50: {  	_ =	shalt  }
0x51: {  	_ =	shalt  }
0x52: {  	_ =	shalt  }
0x53: {  	_ =	shalt  }
0x54: {  	_ =	shalt  }
0x55: {  	_ =	shalt  }
0x56: {  	_ =	shalt  }
0x57: {  	_ =	shalt  }
0x58: {  	_ =	shalt  }
0x59: {  	_ =	shalt  }
0x5a: {  	_ =	shalt  }
0x5b: {  	_ =	shalt  }
0x5c: {  	_ =	shalt  }
0x5d: {  	_ =	shalt  }
0x5e: {  	_ =	shalt  }
0x5f: {  	_ =	shalt  }
0x60: {  	_ =	shalt  }
0x61: {  	_ =	shalt  }
0x62: {  	_ =	shalt  }
0x63: {  	_ =	shalt  }
0x64: {  	_ =	shalt  }
0x65: {  	_ =	shalt  }
0x66: {  	_ =	shalt  }
0x67: {  	_ =	shalt  }
0x68: {  	_ =	shalt  }
0x69: {  	_ =	shalt  }
0x6a: {  	_ =	shalt  }
0x6b: {  	_ =	shalt  }
0x6c: {  	_ =	shalt  }
0x6d: {  	_ =	shalt  }
0x6e: {  	_ =	shalt  }
0x6f: {  	_ =	shalt  }
0x70: {  	_ =	shalt  }
0x71: {  	_ =	shalt  }
0x72: {  	_ =	shalt  }
0x73: {  	_ =	shalt  }
0x74: {  	_ =	shalt  }
0x75: {  	_ =	shalt  }
0x76: {  	_ =	shalt  }
0x77: {  	_ =	shalt  }
0x78: {  	_ =	shalt  }
0x79: {  	_ =	shalt  }
0x7a: {  	_ =	shalt  }
0x7b: {  	_ =	shalt  }
0x7c: {  	_ =	shalt  }
0x7d: {  	_ =	shalt  }
0x7e: {  	_ =	shalt  }
0x7f: {  	_ =	shalt  }
0x80: {  	_ =	shalt  }
0x81: {  	_ =	shalt  }
0x82: {  	_ =	shalt  }
0x83: {  	_ =	shalt  }
0x84: {  	_ =	shalt  }
0x85: {  	_ =	shalt  }
0x86: {  	_ =	shalt  }
0x87: {  	_ =	shalt  }
.Lfunc_end0:
.L_simem_size_0:
called_computation.1_lowered:
.L_overlay_start_0:
0x88: {  	s2 =	sld [smem:$0x3FD9]  }
0x89: {  	s3 =	sld [smem:$0x3FFE];
	_ =	sdelay $0x1  }
0x8a: {  	s1 =	srdreg.scid  }
0x8b: {  	s0 =	sand.u32 $0x1, s1  }
0x8c: {  	s16 =	sshll.u32 s0, $0xA;
	s2 =	sadd.s32 s3, s2  }
0x8d: {  	s2 =	sadd.s32 s2, s16  }
0x8e: {  	[smem:$0x3FBC] =	sst s2  }
0x8f: {  	_ = 	snop  }
0x90: {  	(tm) =	ssettm $0x1  }
0x91: {  	s17 =	sld [smem:$0x3FFB];
	_ =	sdelay $0x3  }
0x92: {  	_ =	strace s17  }
0x93: {  	s2 =	sld [smem:$0x3FFC];
	_ =	sdelay $0x3  }
0x94: {  	_ =	strace s2  }
0x95: {  	s2 =	sld [smem:$0x3FFD];
	_ =	sdelay $0x3  }
0x96: {  	_ =	strace s2  }
0x97: {  	_ =	strace $0x8FFFFFFF  }
0x98: {  	s18 =	sld [smem:$0x3FDB];
	_ =	sdelay $0x1  }
0x99: {  	s19 =	simm.s32 $_scs_section_size  }
0x9a: {  	s4 =	simm.s32 $_size__tile_overlayer_lowered;
	s5 =	simm.s32 $_tile_overlayer_lowered  }
0x9b: {  	s22 =	simm.s32 $0x1BFF;
	s21 =	sshll.u32 s5, $0x1;
	s2 =	sadd.s32 s19, s18  }
0x9c: {  	s6 =	simm.s32 $0x0;
	s20 =	sshll.u32 s4, $0x1;
	s4 =	sadd.s32 s21, s2  }
0x9d: {  	[timem:s6], [sflag:s22] =	dma.local [hbm:s4], s20  }
0x9e: {  	_ =	swait.ge [sflag:s22], s20  }
0x9f: {  	s3 =	ssub.s32 $0x0, s20;
	[sflag:s22] =	ssyncset.done $0x0  }
0xa0: {  	[sflag:s22] =	ssyncadd.s32 s3;
	_ =	sdelay $0x1  }
0xa1: {  	s23 =	simm.s32 $0x1B8B  }
0xa2: {  	_ =	swait.ge [sflag:s23], $0x1  }
0xa3: {  	[sflag:s23] =	ssyncset.done $0x0  }
0xa4: {  	s25 =	simm.s32 $0x1B8E;
	s24 =	sld [smem:$0x3FFE];
	[sflag:s23] =	ssyncadd.s32 $0xFFFFFFFF  }
0xa5: {  	s26 =	simm.s32 $execute0_lowered;
	[smem:$0x3FD2] =	sst s25  }
0xa6: {  	s4 =	sshll.u32 s26, $0x1;
	_ =	strace $0x80000049;
	[dreg:$0x1] =	wrdreg $0xFFFFFFFF  }
0xa7: {  	s28 =	simm.s32 $_size_execute0_lowered;
	s2 =	sadd.s32 s2, s4;
	[dreg:$0x0] =	wrdreg $0x0  }
0xa8: {  	s4 =	sshll.u32 s28, $0x1;
	[dreg:$0x2] =	wrdreg s2  }
0xa9: {  	[dreg:$0x3] =	wrdreg s4  }
0xaa: {  	[dreg:$0x4] =	wrdreg $0xC0  }
0xab: {  	_ =	task [dreg:s6], $0x5FFFF  }
0xac: {  	[dreg:$0x1] =	wrdreg $0xFFFFFFFF  }
0xad: {  	[dreg:$0x0] =	wrdreg $0x60  }
0xae: {  	[dreg:$0x2] =	wrdreg s24  }
0xaf: {  	[dreg:$0x3] =	wrdreg $0x90000  }
0xb0: {  	[dreg:$0x4] =	wrdreg $0x9  }
0xb1: {  	_ =	task.clear_ibuf [dreg:s6], $0x5FFFF;
	_ =	strace $0x90000049  }
0xb2: {  	s29 =	simm.s32 $0x9;
	_ =	strace $0x8000004B  }
0xb3: {  	_ =	swait.ge [sflag:s29], $0x1  }
0xb4: {  	[sflag:s29] =	ssyncadd.s32 $0xFFFFFFFF  }
0xb5: {  	_ =	strace $0x9000004B  }
0xb6: {  	_ =	sfence  }
0xb7: {  	s30 =	sld [smem:$0x0];
	_ =	sdelay $0x2  }
0xb8: {  	s31 =	sshll.u32 s1, $0xD;
	s1 =	sshrl.u32 s1, $0x2  }
0xb9: {  	s3 =	sand.u32 $0x4000, s31;
	s1 =	sadd.s32 s1, s30  }
0xba: {  	s0 =	sor.u32 s3, s0;
	s1 =	sshll.u32 s1, $0x11  }
0xbb: {  	s0 =	sor.u32 s1, s0  }
0xbc: {  	s0 =	sadd.s32 $0x8F2B, s0  }
0xbd: {  	[sflag:s0] =	ssyncadd.remote.s32 $0x1  }
0xbe: {  	_ =	sfence.sel $0xFFFF  }
0xbf: {  	[dreg:$0x0] =	wrdreg $0xFFFFFFFF;
	(pc) =	sbr.abs _section_cstart, $3  }
0xc0: {  	[dreg:$0x1] =	wrdreg $0xFFFFFFFF  }
0xc1: {  	_ =	task.clear_ibuf [dreg:s6], $0x2FFFF;
	_ =	strace $0x9FFFFFFF  }
0xc2: {  	(tm) =	ssettm $0x7FFFFFFF  }
0xc3: {  	_ =	shalt  }
tec
execute0_lowered:
.L_overlay_start_1:
0x0: {  	(tag) =	ssettag $0x1  }
0x1: {  	s0 =	srdreg.scid;
	s6 =	rddreg [dreg:$0x0]  }
0x2: {  	s2 =	rddreg [dreg:$0x1];
	s3 =	simm.s32 $0x0;
	s13 =	simm.s32 $0x2800  }
0x3: {  	s14 =	simm.s32 $0x80;
	s15 =	simm.s32 $0x5000;
	s5 =	sand.u32 $0x1, s0  }
0x4: {  	s16 =	simm.s32 $0x1;
	s0 =	stileid.u32;
	s7 =	smul.u32 $0x140000, s5  }
0x5: {  	s17 =	simm.s32 $0x0;
	[smem:$0x7FF] =	sst s3;
	s8 =	smul.u32 $0x14000, s0  }
0x6: {  	s11 =	sadd.s32 $0x2A000, s6;
	s1 =	sshll.u32 s5, $0x4;
	s10 =	smul.u32 $0x50000, s0  }
0x7: {  	s26 =	ssub.s32 $0x2, s5;
	p0 =	seq.s32 s5, $0x1;
	s30 =	smul.u32 $0x2800, s0  }
0x8: {  	s31 =	sshll.u32 s0, $0x6;
	s1 =	sor.u32 s0, s1;
	s12 =	sshrl.u32 s26, $0x1  }
0x9: {  	s4 =	smul.u32 $0x500, s1;
	s1 =	rddreg [dreg:$0x2];
	_ =	strace $0x8000004A  }
0xa: {  	s7 =	sadd.s32 s8, s7;
	s8 =	ssub.s32 s26, s12;
	s28 =	sshrl.u32 s10, $0x2  }
0xb: {  	s10 =	sor.u32 $0x1C02, s31;
	s12 =	simm.s32 $0x2;
	s7 =	sshrl.u32 s7, $0x3  }
0xc: {  	s9 =	sadd.s32 s4, s6;
	s4 =	sadd.s32 $0x2000, s6;
	s7 =	sadd.s32 s7, s6  }
0xd: {  	s5 =	sadd.s32 $0x61D800, s9;
	s6 =	sadd.s32 $0x627800, s9;
	s9 =	smov.u32 s4  }
0xe: {  	s29 =	sadd.s32 s28, s2;
	s8 =	smax.u32 s8, $0x1;
	s9 =	smov.u32 @p0 s11  }
0xf: {  	s7 =	sadd.s32 $0x52000, s7;
	s11 =	sshrl.u32 s29, $0x3;
	s9 =	sadd.s32 s9, s30  }
.LBB2_1:
0x10: {  	[spmem:s11], [sflag:s10] =	dma.local [hbm:s9], $0x2800  }
0x11: {  	_ =	swait.ge [sflag:s12], $0x2800  }
0x12: {  	[sflag:s12] =	ssyncset.done $0x0  }
0x13: {  	[sflag:s12] =	ssyncadd.s32 $0xFFFFD800  }
0x14: {  	[tilespmem:s3], [sflag:$0x2] =	stream.linear.gather [hbm4b:s5+s3], $0x2780, $0x38;
	[tilespmem:$0x1D000] =	vst v63  }
0x15: {  	_ =	swait.ge [sflag:s12], $0x2780  }
0x16: {  	[sflag:s12] =	ssyncset.done $0x0  }
0x17: {  	[sflag:s12] =	ssyncadd.s32 $0xFFFFD880  }
0x18: {  	[tilespmem:s13], [sflag:$0x2] =	stream.linear.gather [hbm4b:s6+s3], $0x2780, $0x38;
	[tilespmem:$0x1D000] =	vst v63  }
0x19: {  	_ =	swait.ge [sflag:s12], $0x2780  }
0x1a: {  	[sflag:s12] =	ssyncset.done $0x0  }
0x1b: {  	[sflag:s12] =	ssyncadd.s32 $0xFFFFD880  }
0x1c: {  	s18 =	simm.s32 $0x0;
	[bflag:$0x0] =	sbarrier.arrive $0xFFFF  }
0x1d: {  	[tilespmem:s15], [sflag:$0x1] =	stream.indirect.gather [hbm4b:s4+s14], $0x80, s18, s14, $0xb8;
	[tilespmem:$0x1D000] =	vst v63  }
0x1e: {  	_ =	swait.ge [sflag:s16], $0x4000  }
0x1f: {  	[sflag:s16] =	ssyncset.done $0x0  }
0x20: {  	s31 =	simm.s32 $0x2800;
	[sflag:s16] =	ssyncadd.s32 $0xFFFFC000  }
0x21: {  	[spmem:s2] =	stream.indirect.scatter.add.f32 [tilespmem:s15], [sflag:$0x2], $0x80, s31, s14, $0xb8;
	[tilespmem:$0x1D000] =	vst v63  }
0x22: {  	_ =	swait.ge [sflag:s12], $0x4000  }
0x23: {  	s19 =	simm.s32 $0x400;
	s18 =	simm.s32 $0x200;
	[sflag:s12] =	ssyncset.done $0x0  }
.LBB2_2:
0x24: {  	s20 =	sshra.s32 s18, $0x2  }
0x25: {  	[sflag:s12] =	ssyncadd.s32 $0xFFFFC000;
	s18 =	smov.u32 s19;
	s21 =	sadd.s32 $0x200, s19  }
0x26: {  	[tilespmem:s15], [sflag:$0x1] =	stream.indirect.gather [hbm4b:s4+s14], $0x80, s20, s14, $0xb8;
	[tilespmem:$0x1D000] =	vst v63  }
0x27: {  	p0 =	sne.s32 s19, $0x9C00;
	_ =	swait.ge [sflag:s16], $0x4000  }
.Ltmp0:
0x28: {  	[sflag:s16] =	ssyncset.done $0x0;
	(pc) =	sbr.rel @p0 .LBB2_2-.Ltmp0, $4  }
0x29: {  	s19 =	sadd.s32 $0x2800, s20;
	[sflag:s16] =	ssyncadd.s32 $0xFFFFC000  }
0x2a: {  	[spmem:s2] =	stream.indirect.scatter.add.f32 [tilespmem:s15], [sflag:$0x2], $0x80, s19, s14, $0xb8;
	[tilespmem:$0x1D000] =	vst v63  }
0x2b: {  	_ =	swait.ge [sflag:s12], $0x4000  }
0x2c: {  	s19 =	smov.u32 s21;
	[sflag:s12] =	ssyncset.done $0x0  }
0x2d: {  	s18 =	sshra.s32 s18, $0x2;
	[sflag:s12] =	ssyncadd.s32 $0xFFFFC000  }
0x2e: {  	[tilespmem:s15], [sflag:$0x1] =	stream.indirect.gather [hbm4b:s4+s14], $0x80, s18, s14, $0xb8;
	[tilespmem:$0x1D000] =	vst v63  }
0x2f: {  	_ =	swait.ge [sflag:s16], $0x4000  }
0x30: {  	[sflag:s16] =	ssyncset.done $0x0  }
0x31: {  	s18 =	sadd.s32 $0x2800, s18;
	[sflag:s16] =	ssyncadd.s32 $0xFFFFC000  }
0x32: {  	[spmem:s2] =	stream.indirect.scatter.add.f32 [tilespmem:s15], [sflag:$0x2], $0x80, s18, s14, $0xb8;
	[tilespmem:$0x1D000] =	vst v63  }
0x33: {  	_ =	swait.ge [sflag:s12], $0x4000  }
0x34: {  	s17 =	sadd.s32 $0x1, s17;
	[sflag:s12] =	ssyncset.done $0x0  }
0x35: {  	p0 =	sne.s32 s17, s8;
	[sflag:s12] =	ssyncadd.s32 $0xFFFFC000  }
.Ltmp1:
0x36: {  	[bflag:$0x0] =	sbarrier.arrive $0xFFFF;
	(pc) =	sbr.rel @p0 .LBB2_1-.Ltmp1, $4  }
0x37: {  	[hbm:s7], [sflag:s10] =	dma.local [spmem:s11], $0x2800  }
0x38: {  	_ =	swait.ge [sflag:s12], $0x2800  }
0x39: {  	[sflag:s12] =	ssyncset.done $0x0  }
0x3a: {  	[sflag:s12] =	ssyncadd.s32 $0xFFFFD800  }
0x3b: {  	_ =	sfence.sel $0x180000  }
0x3c: {  	[bflag:$0x0] =	sbarrier.arrive $0xFFFF  }
0x3d: {  	p0 =	sne.s32 s0, $0x0;
	_ =	strace $0x9000004A  }
0x3e: {  	s0 =	sadd.s32 @!p0 $0x100000, s1;
	[bflag:$0x2] =	sbarrier.arrive $0xFFFF  }
0x3f: {  	[sflag:s0] =	ssyncadd.tile.s32 @!p0 $0x1;
	_ =	shalt  }
.Lfunc_end2:
_tile_overlayer_lowered:
.L_overlay_start_2:
0x40: {  	(tag) =	ssettag $0x2  }
0x41: {  	s0 =	rddreg [dreg:$0x0];
	s2 =	stileid.u32  }
0x42: {  	s1 =	rddreg [dreg:$0x1];
	p0 =	sne.s32 s2, $0x0  }
0x43: {  	s3 =	rddreg [dreg:$0x2];
	[bflag:$0x3] =	sbarrier.arrive $0xFFFF;
	s2 =	simm.s32 @!p0 $0x1C02  }
0x44: {  	[timem:s3], [sflag:s2] =	dma.local @!p0 [hbm:s0], s1  }
0x45: {  	s0 =	simm.s32 @!p0 $0x2  }
0x46: {  	_ =	swait.ge @!p0 [sflag:s0], s1  }
0x47: {  	s1 =	ssub.s32 @!p0 $0x0, s1;
	[sflag:s0] =	ssyncset.done @!p0 $0x0  }
0x48: {  	[sflag:s0] =	ssyncadd.s32 @!p0 s1  }
0x49: {  	[bflag:$0x3] =	sbarrier.arrive $0xFFFF  }
0x4a: {  	_ =	shalt  }

// kernel: kernel.7.cloned.1.call-start
scs
__scs_entry_jumppad:
0x0: {  	(pc) =	sbr.rel $0x88, $3  }
0x1: {  	(tag) =	ssettag $0x0;
	lr =	simm.s32 $0x1  }
0x2: {  	[smem:$0x3F95] =	sst lr;
	_ =	strace $0xD0000000  }
0x3: {  	_ = 	snop  }
0x4: {  	_ = 	snop  }
0x5: {  	_ = 	snop  }
0x6: {  	_ = 	snop  }
0x7: {  	_ = 	snop  }
__scs_overlays_trampoline_lowered:
0x8: {  	[smem:$0x3FA4] =	sst s0  }
0x9: {  	[smem:$0x3FA5] =	sst s1  }
0xa: {  	[smem:$0x3FA6] =	sst s2  }
0xb: {  	[smem:$0x3FA7] =	sst s3  }
0xc: {  	[smem:$0x3FA8] =	sst s4  }
0xd: {  	[smem:$0x3FA9] =	sst s5  }
0xe: {  	[smem:$0x3FAA] =	sst s6  }
0xf: {  	[smem:$0x3FAB] =	sst s7  }
0x10: {  	[smem:$0x3FAC] =	sst s8  }
0x11: {  	[smem:$0x3FAD] =	sst s9;
	s0 =	simm.s32 @!p0 $0x0  }
0x12: {  	s1 =	sld [smem:$0x3F93];
	s0 =	simm.s32 @p0 $0x1  }
0x13: {  	[smem:$0x3FAE] =	sst s0;
	s0 =	simm.s32 @!p1 $0x0  }
0x14: {  	s2 =	sld [smem:$0x3F92];
	s0 =	simm.s32 @p1 $0x1  }
0x15: {  	[smem:$0x3FAF] =	sst s0;
	s0 =	simm.s32 @!p2 $0x0  }
0x16: {  	s3 =	sld [smem:$0x3FDB];
	s0 =	simm.s32 @p2 $0x1  }
0x17: {  	s4 =	simm.s32 $0x1BF5;
	[smem:$0x3FB1] =	sst s0  }
0x18: {  	s0 =	sld [smem:$0x3F94];
	_ =	swait.ge [sflag:s4], $0x0  }
0x19: {  	s7 =	sld [smem:$0x3F95]  }
0x1a: {  	s8 =	sadd.s32 $0xFFFFE003, lr  }
0x1b: {  	s9 =	sadd.s32 $0xFFFFFEF7, lr;
	s5 =	simm.s32 $0xFFFFFFFF;
	p2 =	slt.u32 s8, $0xFFFFF086  }
0x1c: {  	p1 =	slt.u32 s9, $0xF7A;
	s5 =	simm.s32 @!p2 $0x0  }
0x1d: {  	s5 =	simm.s32 @p1 $0x1;
	p0 =	seq.s32 s7, s2  }
0x1e: {  	s7 =	smul.u32 @!p0 $0xF7A, s2;
	p2 =	seq.s32 @!p0 s5, $0x0  }
0x1f: {  	s9 =	smul.u32 $0xF7A, s1;
	s8 =	simm.s32 @!p0 $0x1BF5;
	p2 =	por !p2, p0  }
0x20: {  	[sflag:s8] =	ssyncset.s32 @!p0 $0xFFFFF086;
	s6 =	sadd.s32 @!p0 s3, s7;
	s7 =	simm.s32 @!p0 $0x108  }
0x21: {  	s3 =	sadd.s32 s3, s9;
	s6 =	sadd.s32 @!p0 $0x88, s6;
	s7 =	simm.s32 @p2 $0x1082  }
0x22: {  	[simem:s7], [sflag:s8] =	dma.local @!p0 [hbm:s6], $0xF7A  }
0x23: {  	s9 =	sor.u32 $0xD0000000, s2;
	s6 =	simm.s32 $0x108;
	_ =	swait.ge @!p0 [sflag:s8], $0x0  }
0x24: {  	s3 =	sadd.s32 $0x88, s3;
	s6 =	simm.s32 @!p1 $0x1082;
	[sflag:s4] =	ssyncset.s32 $0xFFFFF086  }
0x25: {  	[simem:s6], [sflag:s4] =	dma.local [hbm:s3], $0xF7A  }
0x26: {  	[smem:$0x3F95] =	sst s1;
	(tag) =	ssettag s2;
	_ =	strace s9  }
0x27: {  	s1 =	sld [smem:$0x3FA5]  }
0x28: {  	s2 =	sld [smem:$0x3FA6]  }
0x29: {  	s4 =	sld [smem:$0x3FA8]  }
0x2a: {  	p0 =	seq.s32 s5, $0x0;
	s5 =	sld [smem:$0x3FA9]  }
0x2b: {  	s6 =	sld [smem:$0x3FAA]  }
0x2c: {  	s7 =	sld [smem:$0x3FAB]  }
0x2d: {  	s3 =	simm.s32 $0x108;
	s8 =	sld [smem:$0x3FAC]  }
0x2e: {  	s3 =	simm.s32 @!p0 $0x1082;
	s9 =	sld [smem:$0x3FAD]  }
0x2f: {  	lr =	sadd.s32 s0, s3;
	s0 =	sld [smem:$0x3FA4]  }
0x30: {  	s3 =	sld [smem:$0x3FA7]  }
0x31: {  	[smem:$0x3FB0] =	sst s10  }
0x32: {  	s10 =	sld [smem:$0x3FAE];
	_ =	sdelay $0x3  }
0x33: {  	p0 =	seq.s32 s10, $0x1;
	s10 =	sld [smem:$0x3FB0];
	_ =	sdelay $0x3  }
0x34: {  	[smem:$0x3FB0] =	sst s10  }
0x35: {  	s10 =	sld [smem:$0x3FAF];
	_ =	sdelay $0x3  }
0x36: {  	p1 =	seq.s32 s10, $0x1;
	s10 =	sld [smem:$0x3FB0];
	_ =	sdelay $0x3  }
0x37: {  	[smem:$0x3FB0] =	sst s10  }
0x38: {  	s10 =	sld [smem:$0x3FB1]  }
0x39: {  	_ = 	snop;
	(pc) =	sbr.ind lr, $3  }
0x3a: {  	_ = 	snop  }
0x3b: {  	_ = 	snop  }
0x3c: {  	p2 =	seq.s32 s10, $0x1;
	s10 =	sld [smem:$0x3FB0]  }
0x3d: {  	_ =	shalt  }
0x3e: {  	_ =	shalt  }
0x3f: {  	_ =	shalt  }
0x40: {  	_ =	shalt  }
0x41: {  	_ =	shalt  }
0x42: {  	_ =	shalt  }
0x43: {  	_ =	shalt  }
0x44: {  	_ =	shalt  }
0x45: {  	_ =	shalt  }
0x46: {  	_ =	shalt  }
0x47: {  	_ =	shalt  }
0x48: {  	_ =	shalt  }
0x49: {  	_ =	shalt  }
0x4a: {  	_ =	shalt  }
0x4b: {  	_ =	shalt  }
0x4c: {  	_ =	shalt  }
0x4d: {  	_ =	shalt  }
0x4e: {  	_ =	shalt  }
0x4f: {  	_ =	shalt  }
0x50: {  	_ =	shalt  }
0x51: {  	_ =	shalt  }
0x52: {  	_ =	shalt  }
0x53: {  	_ =	shalt  }
0x54: {  	_ =	shalt  }
0x55: {  	_ =	shalt  }
0x56: {  	_ =	shalt  }
0x57: {  	_ =	shalt  }
0x58: {  	_ =	shalt  }
0x59: {  	_ =	shalt  }
0x5a: {  	_ =	shalt  }
0x5b: {  	_ =	shalt  }
0x5c: {  	_ =	shalt  }
0x5d: {  	_ =	shalt  }
0x5e: {  	_ =	shalt  }
0x5f: {  	_ =	shalt  }
0x60: {  	_ =	shalt  }
0x61: {  	_ =	shalt  }
0x62: {  	_ =	shalt  }
0x63: {  	_ =	shalt  }
0x64: {  	_ =	shalt  }
0x65: {  	_ =	shalt  }
0x66: {  	_ =	shalt  }
0x67: {  	_ =	shalt  }
0x68: {  	_ =	shalt  }
0x69: {  	_ =	shalt  }
0x6a: {  	_ =	shalt  }
0x6b: {  	_ =	shalt  }
0x6c: {  	_ =	shalt  }
0x6d: {  	_ =	shalt  }
0x6e: {  	_ =	shalt  }
0x6f: {  	_ =	shalt  }
0x70: {  	_ =	shalt  }
0x71: {  	_ =	shalt  }
0x72: {  	_ =	shalt  }
0x73: {  	_ =	shalt  }
0x74: {  	_ =	shalt  }
0x75: {  	_ =	shalt  }
0x76: {  	_ =	shalt  }
0x77: {  	_ =	shalt  }
0x78: {  	_ =	shalt  }
0x79: {  	_ =	shalt  }
0x7a: {  	_ =	shalt  }
0x7b: {  	_ =	shalt  }
0x7c: {  	_ =	shalt  }
0x7d: {  	_ =	shalt  }
0x7e: {  	_ =	shalt  }
0x7f: {  	_ =	shalt  }
0x80: {  	_ =	shalt  }
0x81: {  	_ =	shalt  }
0x82: {  	_ =	shalt  }
0x83: {  	_ =	shalt  }
0x84: {  	_ =	shalt  }
0x85: {  	_ =	shalt  }
0x86: {  	_ =	shalt  }
0x87: {  	_ =	shalt  }
.Lfunc_end0:
.L_simem_size_0:
called_computation_lowered:
.L_overlay_start_0:
0x88: {  	s2 =	sld [smem:$0x3FD9]  }
0x89: {  	s3 =	sld [smem:$0x3FFE];
	_ =	sdelay $0x1  }
0x8a: {  	s1 =	srdreg.scid  }
0x8b: {  	s0 =	sand.u32 $0x1, s1  }
0x8c: {  	s17 =	sshll.u32 s0, $0xA;
	s2 =	sadd.s32 s3, s2  }
0x8d: {  	s2 =	sadd.s32 s2, s17  }
0x8e: {  	[smem:$0x3FBC] =	sst s2  }
0x8f: {  	_ = 	snop  }
0x90: {  	s2 =	sld [smem:$0x3FD0];
	(tm) =	ssettm $0x1  }
0x91: {  	s18 =	sld [smem:$0x3FFB];
	_ =	sdelay $0x3  }
0x92: {  	_ =	strace s18  }
0x93: {  	s3 =	sld [smem:$0x3FFC];
	_ =	sdelay $0x3  }
0x94: {  	_ =	strace s3  }
0x95: {  	s3 =	sld [smem:$0x3FFD];
	_ =	sdelay $0x3  }
0x96: {  	_ =	strace s3  }
0x97: {  	_ =	strace $0x8FFFFFFF  }
0x98: {  	s19 =	sld [smem:$0x3FDB];
	_ =	sdelay $0x1  }
0x99: {  	s4 =	simm.s32 $_scs_section_size  }
0x9a: {  	s5 =	simm.s32 $_size__tile_overlayer_lowered;
	s6 =	simm.s32 $_tile_overlayer_lowered  }
0x9b: {  	s22 =	simm.s32 $0x1BFF;
	s21 =	sshll.u32 s6, $0x1;
	s3 =	sadd.s32 s4, s19  }
0x9c: {  	s7 =	simm.s32 $0x0;
	s20 =	sshll.u32 s5, $0x1;
	s5 =	sadd.s32 s21, s3  }
0x9d: {  	[timem:s7], [sflag:s22] =	dma.local [hbm:s5], s20  }
0x9e: {  	_ =	swait.ge [sflag:s22], s20  }
0x9f: {  	s4 =	ssub.s32 $0x0, s20;
	[sflag:s22] =	ssyncset.done $0x0  }
0xa0: {  	[sflag:s22] =	ssyncadd.s32 s4;
	_ =	sdelay $0x1  }
0xa1: {  	s23 =	simm.s32 $0x1B8B  }
0xa2: {  	_ =	swait.ge [sflag:s23], $0x1  }
0xa3: {  	[sflag:s23] =	ssyncset.done $0x0  }
0xa4: {  	s25 =	simm.s32 $0x1B8E;
	s24 =	sld [smem:$0x3FFE];
	[sflag:s23] =	ssyncadd.s32 $0xFFFFFFFF  }
0xa5: {  	s26 =	simm.s32 $execute0_lowered;
	[smem:$0x3FD2] =	sst s25  }
0xa6: {  	s5 =	sshll.u32 s26, $0x1;
	_ =	strace $0x80000046;
	[dreg:$0x1] =	wrdreg $0xFFFFFFFF  }
0xa7: {  	s28 =	simm.s32 $_size_execute0_lowered;
	s3 =	sadd.s32 s3, s5;
	[dreg:$0x0] =	wrdreg $0x0  }
0xa8: {  	s5 =	sshll.u32 s28, $0x1;
	[dreg:$0x2] =	wrdreg s3  }
0xa9: {  	[dreg:$0x3] =	wrdreg s5  }
0xaa: {  	[dreg:$0x4] =	wrdreg $0xC0  }
0xab: {  	_ =	task [dreg:s7], $0x5FFFF  }
0xac: {  	[dreg:$0x1] =	wrdreg $0xFFFFFFFF  }
0xad: {  	[dreg:$0x0] =	wrdreg $0x60  }
0xae: {  	[dreg:$0x2] =	wrdreg s2  }
0xaf: {  	[dreg:$0x3] =	wrdreg s24  }
0xb0: {  	[dreg:$0x4] =	wrdreg $0x50800  }
0xb1: {  	[dreg:$0x5] =	wrdreg $0x9  }
0xb2: {  	_ =	task.clear_ibuf [dreg:s7], $0x6FFFF;
	_ =	strace $0x90000046  }
0xb3: {  	s29 =	simm.s32 $0x9;
	_ =	strace $0x80000048  }
0xb4: {  	_ =	swait.ge [sflag:s29], $0x1  }
0xb5: {  	[sflag:s29] =	ssyncadd.s32 $0xFFFFFFFF  }
0xb6: {  	_ =	strace $0x90000048  }
0xb7: {  	_ =	sfence  }
0xb8: {  	s30 =	sld [smem:$0x0];
	_ =	sdelay $0x2  }
0xb9: {  	s31 =	sshll.u32 s1, $0xD;
	s1 =	sshrl.u32 s1, $0x2  }
0xba: {  	s3 =	sand.u32 $0x4000, s31;
	s1 =	sadd.s32 s1, s30  }
0xbb: {  	s0 =	sor.u32 s3, s0;
	s1 =	sshll.u32 s1, $0x11  }
0xbc: {  	s0 =	sor.u32 s1, s0  }
0xbd: {  	s0 =	sadd.s32 $0x8F2B, s0  }
0xbe: {  	[sflag:s0] =	ssyncadd.remote.s32 $0x1  }
0xbf: {  	_ =	sfence.sel $0xFFFF  }
0xc0: {  	[dreg:$0x0] =	wrdreg $0xFFFFFFFF;
	(pc) =	sbr.abs _section_cstart, $3  }
0xc1: {  	[dreg:$0x1] =	wrdreg $0xFFFFFFFF  }
0xc2: {  	_ =	task.clear_ibuf [dreg:s7], $0x2FFFF;
	_ =	strace $0x9FFFFFFF  }
0xc3: {  	(tm) =	ssettm $0x7FFFFFFF  }
tec
execute0_lowered:
.L_overlay_start_1:
0x0: {  	(tag) =	ssettag $0x1  }
0x1: {  	s6 =	rddreg [dreg:$0x0]  }
0x2: {  	s4 =	rddreg [dreg:$0x1]  }
0x3: {  	s2 =	rddreg [dreg:$0x2]  }
0x4: {  	s0 =	rddreg [dreg:$0x3];
	s1 =	stileid.u32  }
0x5: {  	s5 =	srdreg.scid;
	s7 =	smul.u32 $0x280, s1  }
0x6: {  	s3 =	simm.s32 $0x0;
	s5 =	sand.u32 $0x1, s5;
	s11 =	smul.u32 $0x5000, s1  }
0x7: {  	[smem:$0x7FF] =	sst s3;
	s8 =	smul.u32 $0x2800, s5  }
0x8: {  	s30 =	sshll.u32 s1, $0x6;
	s10 =	smul.u32 $0x50000, s5;
	s5 =	ssub.s32 $0x2, s5  }
0x9: {  	_ =	strace $0x80000047;
	s9 =	sshrl.u32 s7, $0x3;
	s28 =	sshrl.u32 s5, $0x1  }
0xa: {  	s13 =	sadd.s32 s7, s2;
	s8 =	sadd.s32 s7, s8;
	s9 =	sadd.s32 s9, s4  }
0xb: {  	s12 =	ssub.s32 s5, s28;
	s29 =	sadd.s32 s11, s10;
	s5 =	sor.u32 $0x1C01, s30  }
0xc: {  	s10 =	simm.s32 $0x1;
	s11 =	simm.s32 $0x80;
	s8 =	sshrl.u32 s8, $0x3  }
0xd: {  	s31 =	sshrl.u32 s29, $0x3;
	s8 =	sadd.s32 s8, s4;
	s4 =	sadd.s32 $0x2000, s9  }
0xe: {  	s6 =	sadd.s32 s6, s31;
	s9 =	sshrl.u32 s13, $0x3;
	s13 =	simm.s32 $0x0  }
0xf: {  	v0 =	vimm.f32 $1.000000000e+00;
	s7 =	sadd.s32 $0x2600, s8;
	s8 =	smax.u32 s12, $0x1;
	s12 =	simm.s32 $0x5000  }
.LBB2_1:
0x10: {  	[tilespmem:$0x5000] =	vst v0  }
0x11: {  	[tilespmem:$0x5010] =	vst v0  }
0x12: {  	[tilespmem:$0x5020] =	vst v0  }
0x13: {  	[tilespmem:$0x5030] =	vst v0  }
0x14: {  	[tilespmem:$0x5040] =	vst v0  }
0x15: {  	[tilespmem:$0x5050] =	vst v0  }
0x16: {  	[tilespmem:$0x5060] =	vst v0  }
0x17: {  	[tilespmem:$0x5070] =	vst v0  }
0x18: {  	[spmem:s9], [sflag:s5] =	dma.local [hbm:s4], $0x50  }
0x19: {  	_ =	swait.ge [sflag:s10], $0x50  }
0x1a: {  	[sflag:s10] =	ssyncset.done $0x0  }
0x1b: {  	[sflag:s10] =	ssyncadd.s32 $0xFFFFFFB0  }
0x1c: {  	[tilespmem:s3], [sflag:$0x1] =	stream.linear.gather [hbm4b:s6+s3], $0x4E80, $0x38;
	[tilespmem:$0x5300] =	vst v63  }
0x1d: {  	_ =	swait.ge [sflag:s10], $0x4E80  }
0x1e: {  	[sflag:s10] =	ssyncset.done $0x0  }
0x1f: {  	[sflag:s10] =	ssyncadd.s32 $0xFFFFB180  }
0x20: {  	s14 =	simm.s32 $0x0;
	[bflag:$0x0] =	sbarrier.arrive $0xFFFF  }
0x21: {  	[spmem:s2] =	stream.indirect.scatter.add.f32 [tilespmem:s12], [sflag:$0x1], $0x1, s14, s11, $0xb8;
	[tilespmem:$0x5300] =	vst v63  }
0x22: {  	_ =	swait.ge [sflag:s10], $0x80  }
0x23: {  	s14 =	simm.s32 $0x200;
	[sflag:s10] =	ssyncset.done $0x0  }
.LBB2_2:
0x24: {  	s15 =	sshra.s32 s14, $0x2;
	[sflag:s10] =	ssyncadd.s32 $0xFFFFFF80;
	p0 =	sne.s32 s14, $0x13800  }
0x25: {  	[spmem:s2] =	stream.indirect.scatter.add.f32 [tilespmem:s12], [sflag:$0x1], $0x1, s15, s11, $0xb8;
	[tilespmem:$0x5300] =	vst v63  }
.Ltmp0:
0x26: {  	_ = 	snop;
	(pc) =	sbr.rel @p0 .LBB2_2-.Ltmp0, $4  }
0x27: {  	_ = 	snop  }
0x28: {  	s14 =	sadd.s32 $0x200, s14  }
0x29: {  	_ =	swait.ge [sflag:s10], $0x80  }
0x2a: {  	[sflag:s10] =	ssyncset.done $0x0  }
0x2b: {  	s13 =	sadd.s32 $0x1, s13  }
0x2c: {  	[sflag:s10] =	ssyncadd.s32 $0xFFFFFF80;
	p0 =	sne.s32 s13, s8  }
.Ltmp1:
0x2d: {  	[bflag:$0x0] =	sbarrier.arrive $0xFFFF;
	(pc) =	sbr.rel @p0 .LBB2_1-.Ltmp1, $4  }
0x2e: {  	[hbm:s7], [sflag:s5] =	dma.local [spmem:s9], $0x50  }
0x2f: {  	_ =	swait.ge [sflag:s10], $0x50  }
0x30: {  	[sflag:s10] =	ssyncset.done $0x0  }
0x31: {  	[sflag:s10] =	ssyncadd.s32 $0xFFFFFFB0  }
0x32: {  	_ =	sfence.sel $0x180000  }
0x33: {  	[bflag:$0x0] =	sbarrier.arrive $0xFFFF  }
0x34: {  	p0 =	sne.s32 s1, $0x0;
	_ =	strace $0x90000047  }
0x35: {  	s0 =	sadd.s32 @!p0 $0x100000, s0;
	[bflag:$0x2] =	sbarrier.arrive $0xFFFF  }
0x36: {  	[sflag:s0] =	ssyncadd.tile.s32 @!p0 $0x1;
	_ =	shalt  }
.Lfunc_end2:
_tile_overlayer_lowered:
.L_overlay_start_2:
0x37: {  	(tag) =	ssettag $0x2  }
0x38: {  	s0 =	rddreg [dreg:$0x0];
	s2 =	stileid.u32  }
0x39: {  	s1 =	rddreg [dreg:$0x1];
	p0 =	sne.s32 s2, $0x0  }
0x3a: {  	s3 =	rddreg [dreg:$0x2];
	[bflag:$0x3] =	sbarrier.arrive $0xFFFF;
	s2 =	simm.s32 @!p0 $0x1C01  }
0x3b: {  	[timem:s3], [sflag:s2] =	dma.local @!p0 [hbm:s0], s1  }
0x3c: {  	s0 =	simm.s32 @!p0 $0x1  }
0x3d: {  	_ =	swait.ge @!p0 [sflag:s0], s1  }
0x3e: {  	s1 =	ssub.s32 @!p0 $0x0, s1;
	[sflag:s0] =	ssyncset.done @!p0 $0x0  }
0x3f: {  	[sflag:s0] =	ssyncadd.s32 @!p0 s1  }
0x40: {  	[bflag:$0x3] =	sbarrier.arrive $0xFFFF  }
0x41: {  	_ =	shalt  }

</sc_bundles>
